<compile_context>
chip_gen: v7x
topology: tpu7x:2x2x1
jax: 0.10.2.dev20260603
libtpu: 0.0.44.dev20260713+nightly
codegen_flags: <defaults>
</compile_context>

<pallas_src>
import functools

import jax
import jax.numpy as jnp
import numpy as np
from jax import lax
from jax.experimental import pallas as pl
from jax.experimental.pallas import tpu as pltpu
from jax.experimental.pallas import tpu_sc as plsc

_B, _N, _K = 4, 50000, 16
_NK = _N * _K
_M = _B * _NK
_P = _B * _N
_CH = 128
_NCHUNK = _M // _CH
_CPB = _NK // _CH
_NW = 32
_ROUNDS = -(-_NCHUNK // _NW)

_RB = 640
_PB = _RB // 2
_NBLK = (_M // 8) // _RB
_FB = 1600
_NFB = _P // _FB

_XSLOT = (11, 12, 13, 14, 15, 0, 1, 2)
_EPS = 1e-5
_PREC = jax.lax.Precision.HIGHEST


def _sc_gather_body(table_hbm, idx_hbm, out_hbm, idx_v, rows_v, sem):
    wid = lax.axis_index("s") * 2 + lax.axis_index("c")

    def body(r, _):
        c = wid + r * _NW

        @pl.when(c < _NCHUNK)
        def _():
            pltpu.sync_copy(idx_hbm.at[pl.ds(c * _CH, _CH)], idx_v)
            b_off = (c // _CPB) * _N
            for t in range(_CH // 16):
                sl = pl.ds(t * 16, 16)
                idx_v[sl] = (idx_v[sl] + b_off) * 8
            pltpu.async_copy(table_hbm.at[idx_v], rows_v, sem).wait()
            pltpu.sync_copy(rows_v, out_hbm.at[pl.ds(c * _CH, _CH)])

        return ()

    lax.fori_loop(0, _ROUNDS, body, ())


@functools.lru_cache(maxsize=1)
def _get_sc_gather():
    @functools.partial(
        pl.kernel,
        out_type=jax.ShapeDtypeStruct((_M, 16), jnp.float32),
        mesh=plsc.VectorSubcoreMesh(core_axis_name="c", subcore_axis_name="s"),
        compiler_params=pltpu.CompilerParams(use_tc_tiling_on_sc=False),
        scratch_types=[
            pltpu.VMEM((_CH,), jnp.int32),
            pltpu.VMEM((_CH, 16), jnp.float32),
            pltpu.SemaphoreType.DMA,
        ],
    )
    def _sc_gather(table_hbm, idx_hbm, out_hbm, idx_v, rows_v, sem):
        _sc_gather_body(table_hbm, idx_hbm, out_hbm, idx_v, rows_v, sem)

    return _sc_gather


def _gatherv(table128, neigh_idx):
    out = _get_sc_gather()(table128.reshape(8 * _P, 16), neigh_idx.reshape(_M))
    return out.reshape(_M // 8, 128)


def _affine_from_in_moments(W, b, g, be, s1, m2, cnt):
    mu = s1 / cnt
    cov = m2 / cnt - jnp.outer(mu, mu)
    mean = W @ mu + b
    var = jnp.einsum('oi,ij,oj->o', W, cov, W)
    s = g / jnp.sqrt(var + _EPS)
    return W * s[:, None], s * (b - mean) + be


def _affine_from_out_moments(g, be, s1, m2d, cnt):
    mean = s1 / cnt
    var = m2d / cnt - mean * mean
    s = g / jnp.sqrt(var + _EPS)
    return s, be - mean * s


def _bdiag_j(mat16):
    e = jnp.zeros((128, 128), jnp.float32)
    for i in range(8):
        e = e.at[i * 16:(i + 1) * 16, i * 16:(i + 1) * 16].set(mat16)
    return e


def _rowpat(vec16):
    return jnp.tile(vec16, 8)[None, :].repeat(8, 0)


def _mom_feat_kernel(ftr_ref, out_ref):
    x = ftr_ref[...]
    a = jnp.concatenate(
        [x, jnp.ones((_FB, 1), jnp.float32), jnp.zeros((_FB, 7), jnp.float32)],
        axis=1)
    m = lax.dot_general(a, a, (((0,), (0,)), ((), ())),
                        preferred_element_type=jnp.float32)

    @pl.when(pl.program_id(0) == 0)
    def _():
        out_ref[...] = jnp.zeros_like(out_ref)

    out_ref[...] += m


def _mom_feat(ftr):
    return pl.pallas_call(
        _mom_feat_kernel,
        out_shape=jax.ShapeDtypeStruct((16, 16), jnp.float32),
        grid=(_NFB,),
        in_specs=[pl.BlockSpec((_FB, 8), lambda j: (j, 0))],
        out_specs=pl.BlockSpec((16, 16), lambda j: (0, 0)),
    )(ftr)


def _table1_kernel(ftr_ref, xyz_ref, wp_ref, out_ref):
    x = ftr_ref[...]
    wp = wp_ref[...]
    fpc = jnp.maximum(
        jnp.dot(x, wp[0:8, 0:8], preferred_element_type=jnp.float32, precision=_PREC)
        + wp[8:9, 0:8], 0.0)
    row16 = jnp.concatenate(
        [xyz_ref[...], fpc, jnp.zeros((_FB, 5), jnp.float32)], axis=1)
    out_ref[...] = jnp.concatenate([row16] * 8, axis=1)


def _table1(ftr, xyzf, wpack):
    return pl.pallas_call(
        _table1_kernel,
        out_shape=jax.ShapeDtypeStruct((_P, 128), jnp.float32),
        grid=(_NFB,),
        in_specs=[
            pl.BlockSpec((_FB, 8), lambda j: (j, 0)),
            pl.BlockSpec((_FB, 3), lambda j: (j, 0)),
            pl.BlockSpec((16, 16), lambda j: (0, 0)),
        ],
        out_specs=pl.BlockSpec((_FB, 128), lambda j: (j, 0)),
    )(ftr, xyzf, wpack)


def _lanes_iota():
    return jax.lax.broadcasted_iota(jnp.int32, (1, 128), 1) % 16


def _dis_and_terms(g1, tab, s3_ref, d0_ref, wx_ref, wg_ref, brow_ref):
    xo = tab
    xo2 = jnp.repeat(xo.reshape(_PB, 1, 128), 2, axis=1).reshape(_RB, 128)
    rel = xo2 - g1
    dis2 = jnp.dot(rel * rel, s3_ref[...],
                   preferred_element_type=jnp.float32, precision=_PREC)
    disv = jnp.sqrt(dis2 + 1e-12)
    y = (jnp.dot(disv, d0_ref[...], preferred_element_type=jnp.float32, precision=_PREC)
         + jnp.dot(xo2, wx_ref[...], preferred_element_type=jnp.float32, precision=_PREC)
         + jnp.dot(g1, wg_ref[...], preferred_element_type=jnp.float32, precision=_PREC)
         + brow_ref[0:1, :])
    return y


def _mom2_kernel(g1_ref, tab_ref, s3_ref, d0_ref, wx_ref, wg_ref, brow_ref,
                 out_ref):
    g1 = g1_ref[...]
    y = _dis_and_terms(g1, tab_ref[...], s3_ref, d0_ref, wx_ref, wg_ref,
                       brow_ref)
    c = lax.dot_general(y, y, (((0,), (0,)), ((), ())),
                        preferred_element_type=jnp.float32)
    acc = jnp.zeros((16, 16), jnp.float32)
    for e in range(8):
        acc = acc + c[e * 16:(e + 1) * 16, e * 16:(e + 1) * 16]
    s = jnp.sum(y, axis=0, keepdims=True)
    sa = jnp.zeros((1, 16), jnp.float32)
    for e in range(8):
        sa = sa + s[:, e * 16:(e + 1) * 16]
    blk = jnp.concatenate(
        [acc, sa, jnp.zeros((7, 16), jnp.float32)], axis=0)

    @pl.when(pl.program_id(0) == 0)
    def _():
        out_ref[...] = jnp.zeros_like(out_ref)

    out_ref[...] += blk


def _mom2(g1v, table1, s3, d0, wx, wg, brow):
    return pl.pallas_call(
        _mom2_kernel,
        out_shape=jax.ShapeDtypeStruct((24, 16), jnp.float32),
        grid=(_NBLK,),
        in_specs=[
            pl.BlockSpec((_RB, 128), lambda i: (i, 0)),
            pl.BlockSpec((_PB, 128), lambda i: (i, 0)),
            pl.BlockSpec((128, 128), lambda i: (0, 0)),
            pl.BlockSpec((128, 128), lambda i: (0, 0)),
            pl.BlockSpec((128, 128), lambda i: (0, 0)),
            pl.BlockSpec((128, 128), lambda i: (0, 0)),
            pl.BlockSpec((8, 128), lambda i: (0, 0)),
        ],
        out_specs=pl.BlockSpec((24, 16), lambda i: (0, 0)),
    )(g1v, table1, s3, d0, wx, wg, brow)


def _pairfold(z):
    z3 = z.reshape(z.shape[0] // 2, 2, 128)
    return z3[:, 0, :] + z3[:, 1, :]


def _groupsum(y):
    y = y + jnp.roll(y, 16, axis=1)
    y = y + jnp.roll(y, 32, axis=1)
    y = y + jnp.roll(y, 64, axis=1)
    return y


def _stage2_kernel(g1_ref, tab_ref, s3_ref, d0_ref, wx_ref, wg_ref, brow_ref,
                   wfc_ref, sg_ref, agg_ref, fx_ref, mom_ref):
    g1 = g1_ref[...]
    fxyz = jnp.maximum(
        _dis_and_terms(g1, tab_ref[...], s3_ref, d0_ref, wx_ref, wg_ref,
                       brow_ref), 0.0)
    lane = _lanes_iota()
    nbmask = jnp.logical_and(lane >= 3, lane < 11)
    fcat = jnp.where(nbmask, g1, 0.0) + fxyz
    att = jnp.dot(fcat, wfc_ref[...], preferred_element_type=jnp.float32, precision=_PREC)
    e = jnp.exp(att)
    denom = _pairfold(_groupsum(e))
    numer = _pairfold(_groupsum(fcat * e))
    agg = numer / denom
    agg_ref[...] = agg
    fx_ref[...] = fxyz

    ca = lax.dot_general(agg, agg, (((0,), (0,)), ((), ())),
                         preferred_element_type=jnp.float32)
    magg = ca[0:16, 0:16]
    sagg = jnp.sum(agg, axis=0, keepdims=True)[:, 0:16]
    cx = lax.dot_general(fxyz, fxyz, (((0,), (0,)), ((), ())),
                         preferred_element_type=jnp.float32)
    mfx = jnp.zeros((16, 16), jnp.float32)
    for eb in range(8):
        mfx = mfx + cx[eb * 16:(eb + 1) * 16, eb * 16:(eb + 1) * 16]
    sx = jnp.sum(fxyz, axis=0, keepdims=True)
    sfx = jnp.zeros((1, 16), jnp.float32)
    for eb in range(8):
        sfx = sfx + sx[:, eb * 16:(eb + 1) * 16]
    blk = jnp.concatenate(
        [magg, sagg, jnp.zeros((7, 16), jnp.float32),
         mfx, sfx, jnp.zeros((7, 16), jnp.float32)], axis=0)

    @pl.when(pl.program_id(0) == 0)
    def _():
        mom_ref[...] = jnp.zeros_like(mom_ref)

    mom_ref[...] += blk


def _stage2(g1v, table1, s3, d0, wx, wg, brow, wfc, sg):
    return pl.pallas_call(
        _stage2_kernel,
        out_shape=[
            jax.ShapeDtypeStruct((_P, 128), jnp.float32),
            jax.ShapeDtypeStruct((_M // 8, 128), jnp.float32),
            jax.ShapeDtypeStruct((48, 16), jnp.float32),
        ],
        grid=(_NBLK,),
        in_specs=[
            pl.BlockSpec((_RB, 128), lambda i: (i, 0)),
            pl.BlockSpec((_PB, 128), lambda i: (i, 0)),
            pl.BlockSpec((128, 128), lambda i: (0, 0)),
            pl.BlockSpec((128, 128), lambda i: (0, 0)),
            pl.BlockSpec((128, 128), lambda i: (0, 0)),
            pl.BlockSpec((128, 128), lambda i: (0, 0)),
            pl.BlockSpec((8, 128), lambda i: (0, 0)),
            pl.BlockSpec((128, 128), lambda i: (0, 0)),
            pl.BlockSpec((128, 128), lambda i: (0, 0)),
        ],
        out_specs=[
            pl.BlockSpec((_PB, 128), lambda i: (i, 0)),
            pl.BlockSpec((_RB, 128), lambda i: (i, 0)),
            pl.BlockSpec((48, 16), lambda i: (0, 0)),
        ],
    )(g1v, table1, s3, d0, wx, wg, brow, wfc, sg)


def _stage3_kernel(g2_ref, fx_ref, w3_ref, b3_ref, w4_ref, b4_ref,
                   wfc_ref, sg_ref, agg_ref, mom_ref):
    fnb2 = jnp.maximum(
        jnp.dot(g2_ref[...], w3_ref[...], preferred_element_type=jnp.float32, precision=_PREC)
        + b3_ref[0:1, :], 0.0)
    fx2 = jnp.maximum(
        jnp.dot(fx_ref[...], w4_ref[...], preferred_element_type=jnp.float32, precision=_PREC)
        + b4_ref[0:1, :], 0.0)
    fcat = fnb2 + fx2
    att = jnp.dot(fcat, wfc_ref[...], preferred_element_type=jnp.float32, precision=_PREC)
    e = jnp.exp(att)
    denom = _pairfold(_groupsum(e))
    numer = _pairfold(_groupsum(fcat * e))
    agg = numer / denom
    agg_ref[...] = agg

    ca = lax.dot_general(agg, agg, (((0,), (0,)), ((), ())),
                         preferred_element_type=jnp.float32)
    blk = jnp.concatenate(
        [ca[0:16, 0:16], jnp.sum(agg, axis=0, keepdims=True)[:, 0:16],
         jnp.zeros((7, 16), jnp.float32)], axis=0)

    @pl.when(pl.program_id(0) == 0)
    def _():
        mom_ref[...] = jnp.zeros_like(mom_ref)

    mom_ref[...] += blk


def _stage3(g2v, fxtab, w3, b3, w4, b4, wfc, sg):
    return pl.pallas_call(
        _stage3_kernel,
        out_shape=[
            jax.ShapeDtypeStruct((_P, 128), jnp.float32),
            jax.ShapeDtypeStruct((24, 16), jnp.float32),
        ],
        grid=(_NBLK,),
        in_specs=[
            pl.BlockSpec((_RB, 128), lambda i: (i, 0)),
            pl.BlockSpec((_RB, 128), lambda i: (i, 0)),
            pl.BlockSpec((128, 128), lambda i: (0, 0)),
            pl.BlockSpec((8, 128), lambda i: (0, 0)),
            pl.BlockSpec((128, 128), lambda i: (0, 0)),
            pl.BlockSpec((8, 128), lambda i: (0, 0)),
            pl.BlockSpec((128, 128), lambda i: (0, 0)),
            pl.BlockSpec((128, 128), lambda i: (0, 0)),
        ],
        out_specs=[
            pl.BlockSpec((_PB, 128), lambda i: (i, 0)),
            pl.BlockSpec((24, 16), lambda i: (0, 0)),
        ],
    )(g2v, fxtab, w3, b3, w4, b4, wfc, sg)


def _fpc2_kernel(agg_ref, wp_ref, out_ref, mom_ref):
    a = agg_ref[...][:, 0:16]
    wp = wp_ref[...]
    f = jnp.maximum(
        jnp.dot(a, wp[0:16, :], preferred_element_type=jnp.float32, precision=_PREC)
        + wp[16:17, :], 0.0)
    out_ref[...] = f
    aa = jnp.concatenate(
        [f, jnp.ones((_FB, 1), jnp.float32), jnp.zeros((_FB, 15), jnp.float32)],
        axis=1)
    m = lax.dot_general(aa, aa, (((0,), (0,)), ((), ())),
                        preferred_element_type=jnp.float32)

    @pl.when(pl.program_id(0) == 0)
    def _():
        mom_ref[...] = jnp.zeros_like(mom_ref)

    mom_ref[...] += m


def _fpc2(agg2tab, wpack):
    return pl.pallas_call(
        _fpc2_kernel,
        out_shape=[
            jax.ShapeDtypeStruct((_P, 16), jnp.float32),
            jax.ShapeDtypeStruct((32, 32), jnp.float32),
        ],
        grid=(_NFB,),
        in_specs=[
            pl.BlockSpec((_FB, 128), lambda j: (j, 0)),
            pl.BlockSpec((24, 16), lambda j: (0, 0)),
        ],
        out_specs=[
            pl.BlockSpec((_FB, 16), lambda j: (j, 0)),
            pl.BlockSpec((32, 32), lambda j: (0, 0)),
        ],
    )(agg2tab, wpack)


def _final_kernel(fpc2_ref, ftr_ref, w6_ref, wsc_ref, out_ref):
    w6 = w6_ref[...]
    wsc = wsc_ref[...]
    y = (jnp.dot(fpc2_ref[...], w6[0:16, :], preferred_element_type=jnp.float32, precision=_PREC)
         + w6[16:17, :]
         + jnp.dot(ftr_ref[...], wsc[0:8, :], preferred_element_type=jnp.float32, precision=_PREC)
         + wsc[8:9, :])
    out_ref[...] = jnp.where(y >= 0.0, y, 0.2 * y)


def _final(fpc2, ftr, w6pack, wscpack):
    return pl.pallas_call(
        _final_kernel,
        out_shape=jax.ShapeDtypeStruct((_P, 32), jnp.float32),
        grid=(_NFB,),
        in_specs=[
            pl.BlockSpec((_FB, 16), lambda j: (j, 0)),
            pl.BlockSpec((_FB, 8), lambda j: (j, 0)),
            pl.BlockSpec((24, 32), lambda j: (0, 0)),
            pl.BlockSpec((16, 32), lambda j: (0, 0)),
        ],
        out_specs=pl.BlockSpec((_FB, 32), lambda j: (j, 0)),
    )(fpc2, ftr, w6pack, wscpack)


def _np_zeros(*s):
    return np.zeros(s, np.float32)


def _build_s3():
    m = _np_zeros(128, 128)
    for e in range(8):
        for j in range(3):
            m[e * 16 + j, e * 16] = 1.0
    return jnp.asarray(m)


def _build_sg():
    m = _np_zeros(128, 128)
    for e in range(8):
        for ep in range(8):
            for s in range(16):
                m[e * 16 + s, ep * 16 + s] = 1.0
    return jnp.asarray(m)


def _build_relpos_consts(W2, b2, s2, t2, out_slots):
    W2s = W2 * s2[:, None]
    b2s = b2 * s2 + t2
    idx_out = np.asarray(out_slots)
    r3 = np.arange(3)
    d0b = jnp.zeros((16, 16), jnp.float32).at[0, idx_out].set(W2s[:, 0])
    wxb = jnp.zeros((16, 16), jnp.float32).at[np.ix_(r3, idx_out)].set(
        (W2s[:, 4:7] + W2s[:, 1:4]).T)
    wgb = jnp.zeros((16, 16), jnp.float32).at[np.ix_(r3, idx_out)].set(
        (W2s[:, 7:10] - W2s[:, 1:4]).T)
    bvec = jnp.zeros((16,), jnp.float32).at[idx_out].set(b2s)
    return (_bdiag_j(d0b), _bdiag_j(wxb), _bdiag_j(wgb), _rowpat(bvec))


def _fcat1_ch_of_slot():
    ch = [0] * 16
    for j in range(8):
        ch[3 + j] = j
    for j, s in enumerate(_XSLOT):
        ch[s] = 8 + j
    return ch




def kernel(feature, xyz, neigh_idx, params):
    p = params
    lfa = p['lfa']
    ftr = jnp.transpose(feature[..., 0], (0, 2, 1)).reshape(_P, 8)
    xyzf = xyz.reshape(_P, 3)

    momf = _mom_feat(ftr)
    s1f, m2f = momf[8, 0:8], momf[0:8, 0:8]
    W1f, b1f = _affine_from_in_moments(
        p['mlp1']['W'], p['mlp1']['b'], p['mlp1']['g'], p['mlp1']['be'],
        s1f, m2f, _P)
    Wscf, bscf = _affine_from_in_moments(
        p['shortcut']['W'], p['shortcut']['b'], p['shortcut']['g'],
        p['shortcut']['be'], s1f, m2f, _P)

    wpack1 = jnp.zeros((16, 16), jnp.float32)
    wpack1 = wpack1.at[0:8, 0:8].set(W1f.T).at[8, 0:8].set(b1f)
    table1 = _table1(ftr, xyzf, wpack1)

    g1v = _gatherv(table1, neigh_idx)

    s3 = _build_s3()
    sg = _build_sg()
    W2, b2 = lfa['mlp1']['W'], lfa['mlp1']['b']
    one8 = jnp.ones((8,), jnp.float32)
    zero8 = jnp.zeros((8,), jnp.float32)
    d0r, wxr, wgr, browr = _build_relpos_consts(
        W2, b2, one8, zero8, tuple(range(8)))
    mom2 = _mom2(g1v, table1, s3, d0r, wxr, wgr, browr)
    m2y, s2y = mom2[0:8, 0:8], mom2[16, 0:8]
    s2, t2 = _affine_from_out_moments(
        lfa['mlp1']['g'], lfa['mlp1']['be'], s2y, jnp.diag(m2y), _M)

    d0, wx, wg, brow = _build_relpos_consts(W2, b2, s2, t2, _XSLOT)
    ch1 = _fcat1_ch_of_slot()
    slot_of_ch1 = [0] * 16
    for s in range(16):
        slot_of_ch1[ch1[s]] = s
    sm1 = _slot_matrix_j(lfa['att1']['Wfc'], ch1, slot_of_ch1)
    wfc1 = _bdiag_j(sm1)
    aggtab, fxtab, mom34 = _stage2(
        g1v, table1, s3, d0, wx, wg, brow, wfc1, sg)
    magg, sagg = mom34[0:16, 0:16], mom34[16, 0:16]
    mfx, sfx = mom34[24:40, 0:16], mom34[40, 0:16]

    idx1 = jnp.asarray(slot_of_ch1)
    magg_c = magg[jnp.ix_(idx1, idx1)]
    sagg_c = sagg[idx1]
    W3f, b3f = _affine_from_in_moments(
        lfa['att1']['mlp']['W'], lfa['att1']['mlp']['b'],
        lfa['att1']['mlp']['g'], lfa['att1']['mlp']['be'],
        sagg_c, magg_c, _P)
    w3slot = _slot_matrix_j(W3f, ch1, list(range(8)))
    w3bd = _bdiag_j(w3slot)
    b3row = _rowpat(jnp.zeros((16,), jnp.float32).at[0:8].set(b3f))

    idxx = jnp.asarray(list(_XSLOT))
    mfx_c = mfx[jnp.ix_(idxx, idxx)]
    sfx_c = sfx[idxx]
    W4f, b4f = _affine_from_in_moments(
        lfa['mlp2']['W'], lfa['mlp2']['b'], lfa['mlp2']['g'],
        lfa['mlp2']['be'], sfx_c, mfx_c, _M)
    w4slot = _w4_slot_matrix(W4f)
    w4bd = _bdiag_j(w4slot)
    b4row = _rowpat(jnp.zeros((16,), jnp.float32).at[8:16].set(b4f))

    g2v = _gatherv(aggtab, neigh_idx)

    ch2 = list(range(16))
    sm2 = _slot_matrix_j(lfa['att2']['Wfc'], ch2, list(range(16)))
    wfc2 = _bdiag_j(sm2)
    agg2tab, mom5 = _stage3(
        g2v, fxtab, w3bd, b3row, w4bd, b4row, wfc2, sg)
    magg2, sagg2 = mom5[0:16, 0:16], mom5[16, 0:16]

    W5f, b5f = _affine_from_in_moments(
        lfa['att2']['mlp']['W'], lfa['att2']['mlp']['b'],
        lfa['att2']['mlp']['g'], lfa['att2']['mlp']['be'],
        sagg2, magg2, _P)
    wpack5 = jnp.zeros((24, 16), jnp.float32)
    wpack5 = wpack5.at[0:16, :].set(W5f.T).at[16, :].set(b5f)
    fpc2, mom6 = _fpc2(agg2tab, wpack5)
    m6, s6 = mom6[0:16, 0:16], mom6[16, 0:16]
    mu6 = s6 / _P
    cov6 = m6 / _P - jnp.outer(mu6, mu6)
    W6, b6 = p['mlp2']['W'], p['mlp2']['b']
    mean6 = W6 @ mu6 + b6
    var6 = jnp.einsum('oi,ij,oj->o', W6, cov6, W6)
    sca6 = p['mlp2']['g'] / jnp.sqrt(var6 + _EPS)
    W6f = W6 * sca6[:, None]
    b6f = sca6 * (b6 - mean6) + p['mlp2']['be']

    w6pack = jnp.zeros((24, 32), jnp.float32)
    w6pack = w6pack.at[0:16, :].set(W6f.T).at[16, :].set(b6f)
    wscpack = jnp.zeros((16, 32), jnp.float32)
    wscpack = wscpack.at[0:8, :].set(Wscf.T).at[8, :].set(bscf)

    out = _final(fpc2, ftr, w6pack, wscpack)
    out = out.reshape(_B, _N, 32)
    return jnp.transpose(out, (0, 2, 1))[..., None]


def _slot_matrix_j(Wfc, ch_of_slot, out_list):
    Wfc = jnp.asarray(Wfc)
    nout = Wfc.shape[0]
    m = jnp.zeros((16, 16), jnp.float32)
    for si in range(16):
        for o in range(nout):
            m = m.at[si, out_list[o]].set(Wfc[o, ch_of_slot[si]])
    return m


def _w4_slot_matrix(W4f):
    m = jnp.zeros((16, 16), jnp.float32)
    for j in range(8):
        for o in range(8):
            m = m.at[_XSLOT[j], 8 + o].set(W4f[o, j])
    return m

# --- scband reference (transcript-rebuilt; emitter-appended) ---
"""Pipeline reference for scband-rand-la3-d-1872605741518 (READ-ONLY COPY).

The authoritative reference and input builder live on the scoring server;
editing this copy changes nothing except your own understanding.
"""

import jax, jax.numpy as jnp
import numpy as np

D_IN, D_OUT = 8, 16
B, N, K = 4, 50000, 16


def _conv2d(x, W, b=None):
    # 1x1 conv over [B, C, N, K] layout
    y = jnp.einsum('oi,binx->bonx', W, x)
    if b is not None:
        y = y + b[None, :, None, None]
    return y


def _bn(y, g, be):
    mean = y.mean(axis=(0, 2, 3), keepdims=True)
    var = y.var(axis=(0, 2, 3), keepdims=True)
    y = (y - mean) / jnp.sqrt(var + 1e-5)
    return g[None, :, None, None] * y + be[None, :, None, None]


def _conv_bn(x, p, act=True):
    y = _bn(_conv2d(x, p['W'], p['b']), p['g'], p['be'])
    return jax.nn.relu(y) if act else y


def _gather_neighbour(pc, neigh_idx):
    # pc: [B, N, d], neigh_idx: [B, N, K] -> [B, N, K, d]
    b, n, d = pc.shape
    k = neigh_idx.shape[-1]
    idx = neigh_idx.reshape(b, n * k)
    feats = jax.vmap(lambda p, i: p[i])(pc, idx)
    return feats.reshape(b, n, k, d)


def _rel_pos_enc(xyz, neigh_idx):
    nxyz = _gather_neighbour(xyz, neigh_idx)
    tile = jnp.broadcast_to(xyz[:, :, None, :], nxyz.shape)
    rel = tile - nxyz
    dis = jnp.sqrt(jnp.sum(rel ** 2, axis=-1, keepdims=True) + 1e-12)
    return jnp.concatenate([dis, rel, tile, nxyz], axis=-1)  # [B,N,K,10]


def _att_pool(fs, p):
    att = _conv2d(fs, p['Wfc'])           # fc, no bias, no bn
    scores = jax.nn.softmax(att, axis=3)
    agg = jnp.sum(fs * scores, axis=3, keepdims=True)
    return _conv_bn(agg, p['mlp'], act=True)


def _building_block(xyz, feature, neigh_idx, p):
    f_xyz = _rel_pos_enc(xyz, neigh_idx)
    f_xyz = jnp.transpose(f_xyz, (0, 3, 1, 2))              # [B,10,N,K]
    f_xyz = _conv_bn(f_xyz, p['mlp1'])                      # [B,d/2,N,K]
    f_nb = _gather_neighbour(jnp.transpose(feature[..., 0], (0, 2, 1)), neigh_idx)
    f_nb = jnp.transpose(f_nb, (0, 3, 1, 2))                # [B,d/2,N,K]
    f_cat = jnp.concatenate([f_nb, f_xyz], axis=1)          # [B,d,N,K]
    f_agg = _att_pool(f_cat, p['att1'])                     # [B,d/2,N,1]
    f_xyz = _conv_bn(f_xyz, p['mlp2'])                      # [B,d/2,N,K]
    f_nb = _gather_neighbour(jnp.transpose(f_agg[..., 0], (0, 2, 1)), neigh_idx)
    f_nb = jnp.transpose(f_nb, (0, 3, 1, 2))
    f_cat = jnp.concatenate([f_nb, f_xyz], axis=1)          # [B,d,N,K]
    return _att_pool(f_cat, p['att2'])                      # [B,d,N,1]


def _dilated_res_block(feature, xyz, neigh_idx, params):
    f_pc = _conv_bn(feature, params['mlp1'])                # [B,d/2,N,1]
    f_pc = _building_block(xyz, f_pc, neigh_idx, params['lfa'])
    f_pc = _conv_bn(f_pc, params['mlp2'], act=False)        # [B,2d,N,1]
    sc = _conv_bn(feature, params['shortcut'], act=False)   # [B,2d,N,1]
    return jax.nn.leaky_relu(f_pc + sc, negative_slope=0.2)


def _make_params(key):
    def lin(k, o, i):
        return {'W': jax.random.normal(k, (o, i), jnp.float32) * (1.0 / np.sqrt(i)),
                'b': jnp.zeros((o,), jnp.float32),
                'g': jnp.ones((o,), jnp.float32),
                'be': jnp.zeros((o,), jnp.float32)}
    ks = jax.random.split(key, 9)
    d, h = D_OUT, D_OUT // 2
    return {
        'mlp1': lin(ks[0], h, D_IN),
        'lfa': {
            'mlp1': lin(ks[1], h, 10),
            'att1': {'Wfc': jax.random.normal(ks[2], (d, d), jnp.float32) * (1.0 / np.sqrt(d)),
                     'mlp': lin(ks[3], h, d)},
            'mlp2': lin(ks[4], h, h),
            'att2': {'Wfc': jax.random.normal(ks[5], (d, d), jnp.float32) * (1.0 / np.sqrt(d)),
                     'mlp': lin(ks[6], d, d)},
        },
        'mlp2': lin(ks[7], 2 * d, d),
        'shortcut': lin(ks[8], 2 * d, D_IN),
    }


def setup_inputs(seed: int = 0):
    key = jax.random.key(seed)
    k1, k2, k3, k4 = jax.random.split(key, 4)
    return {
        'feature': jax.random.normal(k1, (B, D_IN, N, 1), jnp.float32),
        'xyz': jax.random.normal(k2, (B, N, 3), jnp.float32),
        'neigh_idx': jax.random.randint(k3, (B, N, K), 0, N, dtype=jnp.int32),
        'params': _make_params(k4),
    }


def reference(feature, xyz, neigh_idx, params):
    return _dilated_res_block(feature, xyz, neigh_idx, params)

if __name__ == "__main__":
    import jax
    _d = setup_inputs()
    print(jax.jit(kernel)(*tuple(_d.values())))

</pallas_src>

<mosaic_0001>
#map = affine_map<(d0, d1) -> (0, 0)>
#map1 = affine_map<(d0, d1) -> (0)>
module attributes {stable_mosaic.version = 14 : i64} {
  func.func @_sc_gather(%arg0: i32, %arg1: i32, %arg2: memref<1600000x16xf32, #tpu.memory_space<hbm>>, %arg3: memref<3200000xi32, #tpu.memory_space<hbm>>, %arg4: memref<3200000x16xf32, #tpu.memory_space<hbm>>, %arg5: memref<128xi32, #tpu.memory_space<vmem>>, %arg6: memref<128x16xf32, #tpu.memory_space<vmem>>, %arg7: memref<!tpu.dma_semaphore, #tpu.memory_space<semaphore_mem>>) attributes {dimension_semantics = [#tpu.dimension_semantics<core_parallel>, #tpu.dimension_semantics<subcore_parallel>], iteration_bounds = array<i64: 2, 16>, scalar_prefetch = 0 : i64, scratch_operands = 3 : i64, tpu.core_type = #tpu.core_type<sc_vector_subcore>, window_params = [{transform_indices = #map}, {transform_indices = #map1}, {transform_indices = #map}]} {
    %mul3A = arith.constant 2 : i32
    %mul3A_0 = arith.muli %arg1, %mul3A : i32
    %add3A = arith.addi %mul3A_0, %arg0 : i32
    %scan3A = arith.constant 0 : i32
    %scan3A_1 = arith.constant 782 : i32
    %scan3A_2 = arith.addi %scan3A, %scan3A_1 : i32
    %scan3A_3 = arith.constant 1 : i32
    scf.for %scan3A_5 = %scan3A to %scan3A_2 step %scan3A_3  : i32 {
      %mul3A_6 = arith.constant 32 : i32
      %mul3A_7 = arith.muli %scan3A_5, %mul3A_6 : i32
      %add3A_8 = arith.addi %add3A, %mul3A_7 : i32
      %lt3A = arith.constant 25000 : i32
      %lt3A_9 = arith.cmpi slt, %add3A_8, %lt3A : i32
      %convert_element_type3A = arith.extui %lt3A_9 : i1 to i32
      %cond3A = arith.constant 0 : i32
      %cond3A_10 = arith.cmpi ne, %convert_element_type3A, %cond3A : i32
      scf.if %cond3A_10 {
        %mul3A_11 = arith.constant 128 : i32
        %mul3A_12 = arith.muli %add3A_8, %mul3A_11 : i32
        "tpu.region"() ({
          %run_scoped3A = tpu.sem_alloc : memref<!tpu.dma_semaphore, #tpu.memory_space<semaphore_mem>>
          %dma_start3A_131 = tpu.memref_slice %arg3[%mul3A_12] : memref<3200000xi32, #tpu.memory_space<hbm>> -> memref<128xi32, #tpu.memory_space<hbm>>
          %dma_start3A_132 = tpu.memref_slice %arg3[%mul3A_12] : memref<3200000xi32, #tpu.memory_space<hbm>> -> memref<128xi32, #tpu.memory_space<hbm>>
          tpu.enqueue_dma source(%dma_start3A_132 : memref<128xi32, #tpu.memory_space<hbm>>) target(%arg5 : memref<128xi32, #tpu.memory_space<vmem>>) target_semaphore(%run_scoped3A : memref<!tpu.dma_semaphore, #tpu.memory_space<semaphore_mem>>)
          %dma_wait3A_133 = tpu.memref_slice %arg3[%mul3A_12] : memref<3200000xi32, #tpu.memory_space<hbm>> -> memref<128xi32, #tpu.memory_space<hbm>>
          %dma_wait3A_134 = tpu.memref_slice %arg3[%mul3A_12] : memref<3200000xi32, #tpu.memory_space<hbm>> -> memref<128xi32, #tpu.memory_space<hbm>>
          tpu.wait_dma2 semaphore(%run_scoped3A : memref<!tpu.dma_semaphore, #tpu.memory_space<semaphore_mem>>) src(%dma_wait3A_134 : memref<128xi32, #tpu.memory_space<hbm>>) dst(%arg5 : memref<128xi32, #tpu.memory_space<vmem>>)
          tpu.yield
        }) : () -> ()
        %jit3A = arith.constant 6250 : i32
        %div3A = arith.divsi %add3A_8, %jit3A : i32
        %sign3A = arith.constant 0 : i32
        %sign3A_13 = arith.cmpi sgt, %add3A_8, %sign3A : i32
        %sign3A_14 = arith.extui %sign3A_13 : i1 to i32
        %sign3A_15 = arith.constant 0 : i32
        %sign3A_16 = arith.cmpi slt, %add3A_8, %sign3A_15 : i32
        %sign3A_17 = arith.extui %sign3A_16 : i1 to i32
        %sign3A_18 = arith.subi %sign3A_14, %sign3A_17 : i32
        %sign3A_19 = arith.constant 0 : i32
        %sign3A_20 = arith.cmpi sgt, %jit3A, %sign3A_19 : i32
        %sign3A_21 = arith.extui %sign3A_20 : i1 to i32
        %sign3A_22 = arith.constant 0 : i32
        %sign3A_23 = arith.cmpi slt, %jit3A, %sign3A_22 : i32
        %sign3A_24 = arith.extui %sign3A_23 : i1 to i32
        %sign3A_25 = arith.subi %sign3A_21, %sign3A_24 : i32
        %ne3A = arith.cmpi ne, %sign3A_18, %sign3A_25 : i32
        %rem3A = arith.remsi %add3A_8, %jit3A : i32
        %ne3A_26 = arith.constant 0 : i32
        %ne3A_27 = arith.cmpi ne, %rem3A, %ne3A_26 : i32
        %and3A = arith.andi %ne3A, %ne3A_27 : i1
        %sub3A = arith.constant 1 : i32
        %sub3A_28 = arith.subi %div3A, %sub3A : i32
        %select_n3A = arith.select %and3A, %sub3A_28, %div3A : i32
        %mul3A_29 = arith.constant 50000 : i32
        %mul3A_30 = arith.muli %select_n3A, %mul3A_29 : i32
        %get3A = arith.constant 0 : index
        %get3A_31 = tpu.vector_load %arg5[%get3A] {strides = array<i32>} : memref<128xi32, #tpu.memory_space<vmem>>, vector<16xi32>,
        %get3A_32 = vector.shape_cast %get3A_31 : vector<16xi32> to vector<16xi32>
        %add3A_33 = vector.broadcast %mul3A_30 : i32 to vector<16xi32>
        %add3A_34 = arith.addi %get3A_32, %add3A_33 : vector<16xi32>
        %mul3A_35 = arith.constant 8 : i32
        %mul3A_36 = vector.broadcast %mul3A_35 : i32 to vector<16xi32>
        %mul3A_37 = arith.muli %add3A_34, %mul3A_36 : vector<16xi32>
        %swap3A = arith.constant 0 : index
        %swap3A_38 = tpu.vector_load %arg5[%swap3A] {strides = array<i32>} : memref<128xi32, #tpu.memory_space<vmem>>, vector<16xi32>,
        %swap3A_39 = vector.shape_cast %swap3A_38 : vector<16xi32> to vector<16xi32>
        %swap3A_40 = vector.shape_cast %mul3A_37 : vector<16xi32> to vector<16xi32>
        tpu.vector_store %arg5[%swap3A], %swap3A_40 {strides = array<i32>} : memref<128xi32, #tpu.memory_space<vmem>>, vector<16xi32>,
        %get3A_41 = arith.constant 16 : index
        %get3A_42 = tpu.vector_load %arg5[%get3A_41] {strides = array<i32>} : memref<128xi32, #tpu.memory_space<vmem>>, vector<16xi32>,
        %get3A_43 = vector.shape_cast %get3A_42 : vector<16xi32> to vector<16xi32>
        %add3A_44 = vector.broadcast %mul3A_30 : i32 to vector<16xi32>
        %add3A_45 = arith.addi %get3A_43, %add3A_44 : vector<16xi32>
        %mul3A_46 = arith.constant 8 : i32
        %mul3A_47 = vector.broadcast %mul3A_46 : i32 to vector<16xi32>
        %mul3A_48 = arith.muli %add3A_45, %mul3A_47 : vector<16xi32>
        %swap3A_49 = arith.constant 16 : index
        %swap3A_50 = tpu.vector_load %arg5[%swap3A_49] {strides = array<i32>} : memref<128xi32, #tpu.memory_space<vmem>>, vector<16xi32>,
        %swap3A_51 = vector.shape_cast %swap3A_50 : vector<16xi32> to vector<16xi32>
        %swap3A_52 = vector.shape_cast %mul3A_48 : vector<16xi32> to vector<16xi32>
        tpu.vector_store %arg5[%swap3A_49], %swap3A_52 {strides = array<i32>} : memref<128xi32, #tpu.memory_space<vmem>>, vector<16xi32>,
        %get3A_53 = arith.constant 32 : index
        %get3A_54 = tpu.vector_load %arg5[%get3A_53] {strides = array<i32>} : memref<128xi32, #tpu.memory_space<vmem>>, vector<16xi32>,
        %get3A_55 = vector.shape_cast %get3A_54 : vector<16xi32> to vector<16xi32>
        %add3A_56 = vector.broadcast %mul3A_30 : i32 to vector<16xi32>
        %add3A_57 = arith.addi %get3A_55, %add3A_56 : vector<16xi32>
        %mul3A_58 = arith.constant 8 : i32
        %mul3A_59 = vector.broadcast %mul3A_58 : i32 to vector<16xi32>
        %mul3A_60 = arith.muli %add3A_57, %mul3A_59 : vector<16xi32>
        %swap3A_61 = arith.constant 32 : index
        %swap3A_62 = tpu.vector_load %arg5[%swap3A_61] {strides = array<i32>} : memref<128xi32, #tpu.memory_space<vmem>>, vector<16xi32>,
        %swap3A_63 = vector.shape_cast %swap3A_62 : vector<16xi32> to vector<16xi32>
        %swap3A_64 = vector.shape_cast %mul3A_60 : vector<16xi32> to vector<16xi32>
        tpu.vector_store %arg5[%swap3A_61], %swap3A_64 {strides = array<i32>} : memref<128xi32, #tpu.memory_space<vmem>>, vector<16xi32>,
        %get3A_65 = arith.constant 48 : index
        %get3A_66 = tpu.vector_load %arg5[%get3A_65] {strides = array<i32>} : memref<128xi32, #tpu.memory_space<vmem>>, vector<16xi32>,
        %get3A_67 = vector.shape_cast %get3A_66 : vector<16xi32> to vector<16xi32>
        %add3A_68 = vector.broadcast %mul3A_30 : i32 to vector<16xi32>
        %add3A_69 = arith.addi %get3A_67, %add3A_68 : vector<16xi32>
        %mul3A_70 = arith.constant 8 : i32
        %mul3A_71 = vector.broadcast %mul3A_70 : i32 to vector<16xi32>
        %mul3A_72 = arith.muli %add3A_69, %mul3A_71 : vector<16xi32>
        %swap3A_73 = arith.constant 48 : index
        %swap3A_74 = tpu.vector_load %arg5[%swap3A_73] {strides = array<i32>} : memref<128xi32, #tpu.memory_space<vmem>>, vector<16xi32>,
        %swap3A_75 = vector.shape_cast %swap3A_74 : vector<16xi32> to vector<16xi32>
        %swap3A_76 = vector.shape_cast %mul3A_72 : vector<16xi32> to vector<16xi32>
        tpu.vector_store %arg5[%swap3A_73], %swap3A_76 {strides = array<i32>} : memref<128xi32, #tpu.memory_space<vmem>>, vector<16xi32>,
        %get3A_77 = arith.constant 64 : index
        %get3A_78 = tpu.vector_load %arg5[%get3A_77] {strides = array<i32>} : memref<128xi32, #tpu.memory_space<vmem>>, vector<16xi32>,
        %get3A_79 = vector.shape_cast %get3A_78 : vector<16xi32> to vector<16xi32>
        %add3A_80 = vector.broadcast %mul3A_30 : i32 to vector<16xi32>
        %add3A_81 = arith.addi %get3A_79, %add3A_80 : vector<16xi32>
        %mul3A_82 = arith.constant 8 : i32
        %mul3A_83 = vector.broadcast %mul3A_82 : i32 to vector<16xi32>
        %mul3A_84 = arith.muli %add3A_81, %mul3A_83 : vector<16xi32>
        %swap3A_85 = arith.constant 64 : index
        %swap3A_86 = tpu.vector_load %arg5[%swap3A_85] {strides = array<i32>} : memref<128xi32, #tpu.memory_space<vmem>>, vector<16xi32>,
        %swap3A_87 = vector.shape_cast %swap3A_86 : vector<16xi32> to vector<16xi32>
        %swap3A_88 = vector.shape_cast %mul3A_84 : vector<16xi32> to vector<16xi32>
        tpu.vector_store %arg5[%swap3A_85], %swap3A_88 {strides = array<i32>} : memref<128xi32, #tpu.memory_space<vmem>>, vector<16xi32>,
        %get3A_89 = arith.constant 80 : index
        %get3A_90 = tpu.vector_load %arg5[%get3A_89] {strides = array<i32>} : memref<128xi32, #tpu.memory_space<vmem>>, vector<16xi32>,
        %get3A_91 = vector.shape_cast %get3A_90 : vector<16xi32> to vector<16xi32>
        %add3A_92 = vector.broadcast %mul3A_30 : i32 to vector<16xi32>
        %add3A_93 = arith.addi %get3A_91, %add3A_92 : vector<16xi32>
        %mul3A_94 = arith.constant 8 : i32
        %mul3A_95 = vector.broadcast %mul3A_94 : i32 to vector<16xi32>
        %mul3A_96 = arith.muli %add3A_93, %mul3A_95 : vector<16xi32>
        %swap3A_97 = arith.constant 80 : index
        %swap3A_98 = tpu.vector_load %arg5[%swap3A_97] {strides = array<i32>} : memref<128xi32, #tpu.memory_space<vmem>>, vector<16xi32>,
        %swap3A_99 = vector.shape_cast %swap3A_98 : vector<16xi32> to vector<16xi32>
        %swap3A_100 = vector.shape_cast %mul3A_96 : vector<16xi32> to vector<16xi32>
        tpu.vector_store %arg5[%swap3A_97], %swap3A_100 {strides = array<i32>} : memref<128xi32, #tpu.memory_space<vmem>>, vector<16xi32>,
        %get3A_101 = arith.constant 96 : index
        %get3A_102 = tpu.vector_load %arg5[%get3A_101] {strides = array<i32>} : memref<128xi32, #tpu.memory_space<vmem>>, vector<16xi32>,
        %get3A_103 = vector.shape_cast %get3A_102 : vector<16xi32> to vector<16xi32>
        %add3A_104 = vector.broadcast %mul3A_30 : i32 to vector<16xi32>
        %add3A_105 = arith.addi %get3A_103, %add3A_104 : vector<16xi32>
        %mul3A_106 = arith.constant 8 : i32
        %mul3A_107 = vector.broadcast %mul3A_106 : i32 to vector<16xi32>
        %mul3A_108 = arith.muli %add3A_105, %mul3A_107 : vector<16xi32>
        %swap3A_109 = arith.constant 96 : index
        %swap3A_110 = tpu.vector_load %arg5[%swap3A_109] {strides = array<i32>} : memref<128xi32, #tpu.memory_space<vmem>>, vector<16xi32>,
        %swap3A_111 = vector.shape_cast %swap3A_110 : vector<16xi32> to vector<16xi32>
        %swap3A_112 = vector.shape_cast %mul3A_108 : vector<16xi32> to vector<16xi32>
        tpu.vector_store %arg5[%swap3A_109], %swap3A_112 {strides = array<i32>} : memref<128xi32, #tpu.memory_space<vmem>>, vector<16xi32>,
        %get3A_113 = arith.constant 112 : index
        %get3A_114 = tpu.vector_load %arg5[%get3A_113] {strides = array<i32>} : memref<128xi32, #tpu.memory_space<vmem>>, vector<16xi32>,
        %get3A_115 = vector.shape_cast %get3A_114 : vector<16xi32> to vector<16xi32>
        %add3A_116 = vector.broadcast %mul3A_30 : i32 to vector<16xi32>
        %add3A_117 = arith.addi %get3A_115, %add3A_116 : vector<16xi32>
        %mul3A_118 = arith.constant 8 : i32
        %mul3A_119 = vector.broadcast %mul3A_118 : i32 to vector<16xi32>
        %mul3A_120 = arith.muli %add3A_117, %mul3A_119 : vector<16xi32>
        %swap3A_121 = arith.constant 112 : index
        %swap3A_122 = tpu.vector_load %arg5[%swap3A_121] {strides = array<i32>} : memref<128xi32, #tpu.memory_space<vmem>>, vector<16xi32>,
        %swap3A_123 = vector.shape_cast %swap3A_122 : vector<16xi32> to vector<16xi32>
        %swap3A_124 = vector.shape_cast %mul3A_120 : vector<16xi32> to vector<16xi32>
        tpu.vector_store %arg5[%swap3A_121], %swap3A_124 {strides = array<i32>} : memref<128xi32, #tpu.memory_space<vmem>>, vector<16xi32>,
        %dma_start3A = arith.constant 0 : i32
        %dma_start3A_125 = arith.constant 0 : i32
        %dma_start3A_126 = tpu.memref_slice %arg2[%dma_start3A, %dma_start3A_125] : memref<1600000x16xf32, #tpu.memory_space<hbm>> -> memref<1600000x16xf32, #tpu.memory_space<hbm>>
        tpu.enqueue_indirect_dma source(%dma_start3A_126 : memref<1600000x16xf32, #tpu.memory_space<hbm>>) target(%arg6 : memref<128x16xf32, #tpu.memory_space<vmem>>) offsets(%arg5 : memref<128xi32, #tpu.memory_space<vmem>>) semaphore(%arg7 : memref<!tpu.dma_semaphore, #tpu.memory_space<semaphore_mem>>)
        %dma_wait3A = arith.constant 0 : i32
        %dma_wait3A_127 = arith.constant 0 : i32
        %dma_wait3A_128 = tpu.memref_slice %arg2[%dma_wait3A, %dma_wait3A_127] : memref<1600000x16xf32, #tpu.memory_space<hbm>> -> memref<1600000x16xf32, #tpu.memory_space<hbm>>
        tpu.wait_indirect_dma semaphore(%arg7 : memref<!tpu.dma_semaphore, #tpu.memory_space<semaphore_mem>>) src(%dma_wait3A_128 : memref<1600000x16xf32, #tpu.memory_space<hbm>>) dst(%arg6 : memref<128x16xf32, #tpu.memory_space<vmem>>)
        %mul3A_129 = arith.constant 128 : i32
        %mul3A_130 = arith.muli %add3A_8, %mul3A_129 : i32
        "tpu.region"() ({
          %run_scoped3A = tpu.sem_alloc : memref<!tpu.dma_semaphore, #tpu.memory_space<semaphore_mem>>
          %dma_start3A_131 = arith.constant 0 : i32
          %dma_start3A_132 = tpu.memref_slice %arg4[%mul3A_130, %dma_start3A_131] : memref<3200000x16xf32, #tpu.memory_space<hbm>> -> memref<128x16xf32, #tpu.memory_space<hbm>>
          %dma_start3A_133 = arith.constant 0 : i32
          %dma_start3A_134 = tpu.memref_slice %arg4[%mul3A_130, %dma_start3A_133] : memref<3200000x16xf32, #tpu.memory_space<hbm>> -> memref<128x16xf32, #tpu.memory_space<hbm>>
          tpu.enqueue_dma source(%arg6 : memref<128x16xf32, #tpu.memory_space<vmem>>) target(%dma_start3A_134 : memref<128x16xf32, #tpu.memory_space<hbm>>) target_semaphore(%run_scoped3A : memref<!tpu.dma_semaphore, #tpu.memory_space<semaphore_mem>>)
          %dma_wait3A_135 = arith.constant 0 : i32
          %dma_wait3A_136 = tpu.memref_slice %arg4[%mul3A_130, %dma_wait3A_135] : memref<3200000x16xf32, #tpu.memory_space<hbm>> -> memref<128x16xf32, #tpu.memory_space<hbm>>
          %dma_wait3A_137 = arith.constant 0 : i32
          %dma_wait3A_138 = tpu.memref_slice %arg4[%mul3A_130, %dma_wait3A_137] : memref<3200000x16xf32, #tpu.memory_space<hbm>> -> memref<128x16xf32, #tpu.memory_space<hbm>>
          tpu.wait_dma2 semaphore(%run_scoped3A : memref<!tpu.dma_semaphore, #tpu.memory_space<semaphore_mem>>) src(%arg6 : memref<128x16xf32, #tpu.memory_space<vmem>>) dst(%dma_wait3A_138 : memref<128x16xf32, #tpu.memory_space<hbm>>)
          tpu.yield
        }) : () -> ()
      } else {
      }
    }
    %scan3A_4 = arith.constant 782 : i32
    return
  }
}

#map = affine_map<(d0, d1) -> (0, 0)>
#map1 = affine_map<(d0, d1) -> (0)>
module attributes {stable_mosaic.version = 14 : i64} {
  func.func @_sc_gather(%arg0: i32, %arg1: i32, %arg2: memref<1600000x16xf32, #tpu.memory_space<hbm>>, %arg3: memref<3200000xi32, #tpu.memory_space<hbm>>, %arg4: memref<3200000x16xf32, #tpu.memory_space<hbm>>, %arg5: memref<128xi32, #tpu.memory_space<vmem>>, %arg6: memref<128x16xf32, #tpu.memory_space<vmem>>, %arg7: memref<!tpu.dma_semaphore, #tpu.memory_space<semaphore_mem>>) attributes {dimension_semantics = [#tpu.dimension_semantics<core_parallel>, #tpu.dimension_semantics<subcore_parallel>], iteration_bounds = array<i64: 2, 16>, scalar_prefetch = 0 : i64, scratch_operands = 3 : i64, tpu.core_type = #tpu.core_type<sc_vector_subcore>, window_params = [{transform_indices = #map}, {transform_indices = #map1}, {transform_indices = #map}]} {
    %mul3A = arith.constant 2 : i32
    %mul3A_0 = arith.muli %arg1, %mul3A : i32
    %add3A = arith.addi %mul3A_0, %arg0 : i32
    %scan3A = arith.constant 0 : i32
    %scan3A_1 = arith.constant 782 : i32
    %scan3A_2 = arith.addi %scan3A, %scan3A_1 : i32
    %scan3A_3 = arith.constant 1 : i32
    scf.for %scan3A_5 = %scan3A to %scan3A_2 step %scan3A_3  : i32 {
      %mul3A_6 = arith.constant 32 : i32
      %mul3A_7 = arith.muli %scan3A_5, %mul3A_6 : i32
      %add3A_8 = arith.addi %add3A, %mul3A_7 : i32
      %lt3A = arith.constant 25000 : i32
      %lt3A_9 = arith.cmpi slt, %add3A_8, %lt3A : i32
      %convert_element_type3A = arith.extui %lt3A_9 : i1 to i32
      %cond3A = arith.constant 0 : i32
      %cond3A_10 = arith.cmpi ne, %convert_element_type3A, %cond3A : i32
      scf.if %cond3A_10 {
        %mul3A_11 = arith.constant 128 : i32
        %mul3A_12 = arith.muli %add3A_8, %mul3A_11 : i32
        "tpu.region"() ({
          %run_scoped3A = tpu.sem_alloc : memref<!tpu.dma_semaphore, #tpu.memory_space<semaphore_mem>>
          %dma_start3A_131 = tpu.memref_slice %arg3[%mul3A_12] : memref<3200000xi32, #tpu.memory_space<hbm>> -> memref<128xi32, #tpu.memory_space<hbm>>
          %dma_start3A_132 = tpu.memref_slice %arg3[%mul3A_12] : memref<3200000xi32, #tpu.memory_space<hbm>> -> memref<128xi32, #tpu.memory_space<hbm>>
          tpu.enqueue_dma source(%dma_start3A_132 : memref<128xi32, #tpu.memory_space<hbm>>) target(%arg5 : memref<128xi32, #tpu.memory_space<vmem>>) target_semaphore(%run_scoped3A : memref<!tpu.dma_semaphore, #tpu.memory_space<semaphore_mem>>)
          %dma_wait3A_133 = tpu.memref_slice %arg3[%mul3A_12] : memref<3200000xi32, #tpu.memory_space<hbm>> -> memref<128xi32, #tpu.memory_space<hbm>>
          %dma_wait3A_134 = tpu.memref_slice %arg3[%mul3A_12] : memref<3200000xi32, #tpu.memory_space<hbm>> -> memref<128xi32, #tpu.memory_space<hbm>>
          tpu.wait_dma2 semaphore(%run_scoped3A : memref<!tpu.dma_semaphore, #tpu.memory_space<semaphore_mem>>) src(%dma_wait3A_134 : memref<128xi32, #tpu.memory_space<hbm>>) dst(%arg5 : memref<128xi32, #tpu.memory_space<vmem>>)
          tpu.yield
        }) : () -> ()
        %jit3A = arith.constant 6250 : i32
        %div3A = arith.divsi %add3A_8, %jit3A : i32
        %sign3A = arith.constant 0 : i32
        %sign3A_13 = arith.cmpi sgt, %add3A_8, %sign3A : i32
        %sign3A_14 = arith.extui %sign3A_13 : i1 to i32
        %sign3A_15 = arith.constant 0 : i32
        %sign3A_16 = arith.cmpi slt, %add3A_8, %sign3A_15 : i32
        %sign3A_17 = arith.extui %sign3A_16 : i1 to i32
        %sign3A_18 = arith.subi %sign3A_14, %sign3A_17 : i32
        %sign3A_19 = arith.constant 0 : i32
        %sign3A_20 = arith.cmpi sgt, %jit3A, %sign3A_19 : i32
        %sign3A_21 = arith.extui %sign3A_20 : i1 to i32
        %sign3A_22 = arith.constant 0 : i32
        %sign3A_23 = arith.cmpi slt, %jit3A, %sign3A_22 : i32
        %sign3A_24 = arith.extui %sign3A_23 : i1 to i32
        %sign3A_25 = arith.subi %sign3A_21, %sign3A_24 : i32
        %ne3A = arith.cmpi ne, %sign3A_18, %sign3A_25 : i32
        %rem3A = arith.remsi %add3A_8, %jit3A : i32
        %ne3A_26 = arith.constant 0 : i32
        %ne3A_27 = arith.cmpi ne, %rem3A, %ne3A_26 : i32
        %and3A = arith.andi %ne3A, %ne3A_27 : i1
        %sub3A = arith.constant 1 : i32
        %sub3A_28 = arith.subi %div3A, %sub3A : i32
        %select_n3A = arith.select %and3A, %sub3A_28, %div3A : i32
        %mul3A_29 = arith.constant 50000 : i32
        %mul3A_30 = arith.muli %select_n3A, %mul3A_29 : i32
        %get3A = arith.constant 0 : index
        %get3A_31 = tpu.vector_load %arg5[%get3A] {strides = array<i32>} : memref<128xi32, #tpu.memory_space<vmem>>, vector<16xi32>,
        %get3A_32 = vector.shape_cast %get3A_31 : vector<16xi32> to vector<16xi32>
        %add3A_33 = vector.broadcast %mul3A_30 : i32 to vector<16xi32>
        %add3A_34 = arith.addi %get3A_32, %add3A_33 : vector<16xi32>
        %mul3A_35 = arith.constant 8 : i32
        %mul3A_36 = vector.broadcast %mul3A_35 : i32 to vector<16xi32>
        %mul3A_37 = arith.muli %add3A_34, %mul3A_36 : vector<16xi32>
        %swap3A = arith.constant 0 : index
        %swap3A_38 = tpu.vector_load %arg5[%swap3A] {strides = array<i32>} : memref<128xi32, #tpu.memory_space<vmem>>, vector<16xi32>,
        %swap3A_39 = vector.shape_cast %swap3A_38 : vector<16xi32> to vector<16xi32>
        %swap3A_40 = vector.shape_cast %mul3A_37 : vector<16xi32> to vector<16xi32>
        tpu.vector_store %arg5[%swap3A], %swap3A_40 {strides = array<i32>} : memref<128xi32, #tpu.memory_space<vmem>>, vector<16xi32>,
        %get3A_41 = arith.constant 16 : index
        %get3A_42 = tpu.vector_load %arg5[%get3A_41] {strides = array<i32>} : memref<128xi32, #tpu.memory_space<vmem>>, vector<16xi32>,
        %get3A_43 = vector.shape_cast %get3A_42 : vector<16xi32> to vector<16xi32>
        %add3A_44 = vector.broadcast %mul3A_30 : i32 to vector<16xi32>
        %add3A_45 = arith.addi %get3A_43, %add3A_44 : vector<16xi32>
        %mul3A_46 = arith.constant 8 : i32
        %mul3A_47 = vector.broadcast %mul3A_46 : i32 to vector<16xi32>
        %mul3A_48 = arith.muli %add3A_45, %mul3A_47 : vector<16xi32>
        %swap3A_49 = arith.constant 16 : index
        %swap3A_50 = tpu.vector_load %arg5[%swap3A_49] {strides = array<i32>} : memref<128xi32, #tpu.memory_space<vmem>>, vector<16xi32>,
        %swap3A_51 = vector.shape_cast %swap3A_50 : vector<16xi32> to vector<16xi32>
        %swap3A_52 = vector.shape_cast %mul3A_48 : vector<16xi32> to vector<16xi32>
        tpu.vector_store %arg5[%swap3A_49], %swap3A_52 {strides = array<i32>} : memref<128xi32, #tpu.memory_space<vmem>>, vector<16xi32>,
        %get3A_53 = arith.constant 32 : index
        %get3A_54 = tpu.vector_load %arg5[%get3A_53] {strides = array<i32>} : memref<128xi32, #tpu.memory_space<vmem>>, vector<16xi32>,
        %get3A_55 = vector.shape_cast %get3A_54 : vector<16xi32> to vector<16xi32>
        %add3A_56 = vector.broadcast %mul3A_30 : i32 to vector<16xi32>
        %add3A_57 = arith.addi %get3A_55, %add3A_56 : vector<16xi32>
        %mul3A_58 = arith.constant 8 : i32
        %mul3A_59 = vector.broadcast %mul3A_58 : i32 to vector<16xi32>
        %mul3A_60 = arith.muli %add3A_57, %mul3A_59 : vector<16xi32>
        %swap3A_61 = arith.constant 32 : index
        %swap3A_62 = tpu.vector_load %arg5[%swap3A_61] {strides = array<i32>} : memref<128xi32, #tpu.memory_space<vmem>>, vector<16xi32>,
        %swap3A_63 = vector.shape_cast %swap3A_62 : vector<16xi32> to vector<16xi32>
        %swap3A_64 = vector.shape_cast %mul3A_60 : vector<16xi32> to vector<16xi32>
        tpu.vector_store %arg5[%swap3A_61], %swap3A_64 {strides = array<i32>} : memref<128xi32, #tpu.memory_space<vmem>>, vector<16xi32>,
        %get3A_65 = arith.constant 48 : index
        %get3A_66 = tpu.vector_load %arg5[%get3A_65] {strides = array<i32>} : memref<128xi32, #tpu.memory_space<vmem>>, vector<16xi32>,
        %get3A_67 = vector.shape_cast %get3A_66 : vector<16xi32> to vector<16xi32>
        %add3A_68 = vector.broadcast %mul3A_30 : i32 to vector<16xi32>
        %add3A_69 = arith.addi %get3A_67, %add3A_68 : vector<16xi32>
        %mul3A_70 = arith.constant 8 : i32
        %mul3A_71 = vector.broadcast %mul3A_70 : i32 to vector<16xi32>
        %mul3A_72 = arith.muli %add3A_69, %mul3A_71 : vector<16xi32>
        %swap3A_73 = arith.constant 48 : index
        %swap3A_74 = tpu.vector_load %arg5[%swap3A_73] {strides = array<i32>} : memref<128xi32, #tpu.memory_space<vmem>>, vector<16xi32>,
        %swap3A_75 = vector.shape_cast %swap3A_74 : vector<16xi32> to vector<16xi32>
        %swap3A_76 = vector.shape_cast %mul3A_72 : vector<16xi32> to vector<16xi32>
        tpu.vector_store %arg5[%swap3A_73], %swap3A_76 {strides = array<i32>} : memref<128xi32, #tpu.memory_space<vmem>>, vector<16xi32>,
        %get3A_77 = arith.constant 64 : index
        %get3A_78 = tpu.vector_load %arg5[%get3A_77] {strides = array<i32>} : memref<128xi32, #tpu.memory_space<vmem>>, vector<16xi32>,
        %get3A_79 = vector.shape_cast %get3A_78 : vector<16xi32> to vector<16xi32>
        %add3A_80 = vector.broadcast %mul3A_30 : i32 to vector<16xi32>
        %add3A_81 = arith.addi %get3A_79, %add3A_80 : vector<16xi32>
        %mul3A_82 = arith.constant 8 : i32
        %mul3A_83 = vector.broadcast %mul3A_82 : i32 to vector<16xi32>
        %mul3A_84 = arith.muli %add3A_81, %mul3A_83 : vector<16xi32>
        %swap3A_85 = arith.constant 64 : index
        %swap3A_86 = tpu.vector_load %arg5[%swap3A_85] {strides = array<i32>} : memref<128xi32, #tpu.memory_space<vmem>>, vector<16xi32>,
        %swap3A_87 = vector.shape_cast %swap3A_86 : vector<16xi32> to vector<16xi32>
        %swap3A_88 = vector.shape_cast %mul3A_84 : vector<16xi32> to vector<16xi32>
        tpu.vector_store %arg5[%swap3A_85], %swap3A_88 {strides = array<i32>} : memref<128xi32, #tpu.memory_space<vmem>>, vector<16xi32>,
        %get3A_89 = arith.constant 80 : index
        %get3A_90 = tpu.vector_load %arg5[%get3A_89] {strides = array<i32>} : memref<128xi32, #tpu.memory_space<vmem>>, vector<16xi32>,
        %get3A_91 = vector.shape_cast %get3A_90 : vector<16xi32> to vector<16xi32>
        %add3A_92 = vector.broadcast %mul3A_30 : i32 to vector<16xi32>
        %add3A_93 = arith.addi %get3A_91, %add3A_92 : vector<16xi32>
        %mul3A_94 = arith.constant 8 : i32
        %mul3A_95 = vector.broadcast %mul3A_94 : i32 to vector<16xi32>
        %mul3A_96 = arith.muli %add3A_93, %mul3A_95 : vector<16xi32>
        %swap3A_97 = arith.constant 80 : index
        %swap3A_98 = tpu.vector_load %arg5[%swap3A_97] {strides = array<i32>} : memref<128xi32, #tpu.memory_space<vmem>>, vector<16xi32>,
        %swap3A_99 = vector.shape_cast %swap3A_98 : vector<16xi32> to vector<16xi32>
        %swap3A_100 = vector.shape_cast %mul3A_96 : vector<16xi32> to vector<16xi32>
        tpu.vector_store %arg5[%swap3A_97], %swap3A_100 {strides = array<i32>} : memref<128xi32, #tpu.memory_space<vmem>>, vector<16xi32>,
        %get3A_101 = arith.constant 96 : index
        %get3A_102 = tpu.vector_load %arg5[%get3A_101] {strides = array<i32>} : memref<128xi32, #tpu.memory_space<vmem>>, vector<16xi32>,
        %get3A_103 = vector.shape_cast %get3A_102 : vector<16xi32> to vector<16xi32>
        %add3A_104 = vector.broadcast %mul3A_30 : i32 to vector<16xi32>
        %add3A_105 = arith.addi %get3A_103, %add3A_104 : vector<16xi32>
        %mul3A_106 = arith.constant 8 : i32
        %mul3A_107 = vector.broadcast %mul3A_106 : i32 to vector<16xi32>
        %mul3A_108 = arith.muli %add3A_105, %mul3A_107 : vector<16xi32>
        %swap3A_109 = arith.constant 96 : index
        %swap3A_110 = tpu.vector_load %arg5[%swap3A_109] {strides = array<i32>} : memref<128xi32, #tpu.memory_space<vmem>>, vector<16xi32>,
        %swap3A_111 = vector.shape_cast %swap3A_110 : vector<16xi32> to vector<16xi32>
        %swap3A_112 = vector.shape_cast %mul3A_108 : vector<16xi32> to vector<16xi32>
        tpu.vector_store %arg5[%swap3A_109], %swap3A_112 {strides = array<i32>} : memref<128xi32, #tpu.memory_space<vmem>>, vector<16xi32>,
        %get3A_113 = arith.constant 112 : index
        %get3A_114 = tpu.vector_load %arg5[%get3A_113] {strides = array<i32>} : memref<128xi32, #tpu.memory_space<vmem>>, vector<16xi32>,
        %get3A_115 = vector.shape_cast %get3A_114 : vector<16xi32> to vector<16xi32>
        %add3A_116 = vector.broadcast %mul3A_30 : i32 to vector<16xi32>
        %add3A_117 = arith.addi %get3A_115, %add3A_116 : vector<16xi32>
        %mul3A_118 = arith.constant 8 : i32
        %mul3A_119 = vector.broadcast %mul3A_118 : i32 to vector<16xi32>
        %mul3A_120 = arith.muli %add3A_117, %mul3A_119 : vector<16xi32>
        %swap3A_121 = arith.constant 112 : index
        %swap3A_122 = tpu.vector_load %arg5[%swap3A_121] {strides = array<i32>} : memref<128xi32, #tpu.memory_space<vmem>>, vector<16xi32>,
        %swap3A_123 = vector.shape_cast %swap3A_122 : vector<16xi32> to vector<16xi32>
        %swap3A_124 = vector.shape_cast %mul3A_120 : vector<16xi32> to vector<16xi32>
        tpu.vector_store %arg5[%swap3A_121], %swap3A_124 {strides = array<i32>} : memref<128xi32, #tpu.memory_space<vmem>>, vector<16xi32>,
        %dma_start3A = arith.constant 0 : i32
        %dma_start3A_125 = arith.constant 0 : i32
        %dma_start3A_126 = tpu.memref_slice %arg2[%dma_start3A, %dma_start3A_125] : memref<1600000x16xf32, #tpu.memory_space<hbm>> -> memref<1600000x16xf32, #tpu.memory_space<hbm>>
        tpu.enqueue_indirect_dma source(%dma_start3A_126 : memref<1600000x16xf32, #tpu.memory_space<hbm>>) target(%arg6 : memref<128x16xf32, #tpu.memory_space<vmem>>) offsets(%arg5 : memref<128xi32, #tpu.memory_space<vmem>>) semaphore(%arg7 : memref<!tpu.dma_semaphore, #tpu.memory_space<semaphore_mem>>)
        %dma_wait3A = arith.constant 0 : i32
        %dma_wait3A_127 = arith.constant 0 : i32
        %dma_wait3A_128 = tpu.memref_slice %arg2[%dma_wait3A, %dma_wait3A_127] : memref<1600000x16xf32, #tpu.memory_space<hbm>> -> memref<1600000x16xf32, #tpu.memory_space<hbm>>
        tpu.wait_indirect_dma semaphore(%arg7 : memref<!tpu.dma_semaphore, #tpu.memory_space<semaphore_mem>>) src(%dma_wait3A_128 : memref<1600000x16xf32, #tpu.memory_space<hbm>>) dst(%arg6 : memref<128x16xf32, #tpu.memory_space<vmem>>)
        %mul3A_129 = arith.constant 128 : i32
        %mul3A_130 = arith.muli %add3A_8, %mul3A_129 : i32
        "tpu.region"() ({
          %run_scoped3A = tpu.sem_alloc : memref<!tpu.dma_semaphore, #tpu.memory_space<semaphore_mem>>
          %dma_start3A_131 = arith.constant 0 : i32
          %dma_start3A_132 = tpu.memref_slice %arg4[%mul3A_130, %dma_start3A_131] : memref<3200000x16xf32, #tpu.memory_space<hbm>> -> memref<128x16xf32, #tpu.memory_space<hbm>>
          %dma_start3A_133 = arith.constant 0 : i32
          %dma_start3A_134 = tpu.memref_slice %arg4[%mul3A_130, %dma_start3A_133] : memref<3200000x16xf32, #tpu.memory_space<hbm>> -> memref<128x16xf32, #tpu.memory_space<hbm>>
          tpu.enqueue_dma source(%arg6 : memref<128x16xf32, #tpu.memory_space<vmem>>) target(%dma_start3A_134 : memref<128x16xf32, #tpu.memory_space<hbm>>) target_semaphore(%run_scoped3A : memref<!tpu.dma_semaphore, #tpu.memory_space<semaphore_mem>>)
          %dma_wait3A_135 = arith.constant 0 : i32
          %dma_wait3A_136 = tpu.memref_slice %arg4[%mul3A_130, %dma_wait3A_135] : memref<3200000x16xf32, #tpu.memory_space<hbm>> -> memref<128x16xf32, #tpu.memory_space<hbm>>
          %dma_wait3A_137 = arith.constant 0 : i32
          %dma_wait3A_138 = tpu.memref_slice %arg4[%mul3A_130, %dma_wait3A_137] : memref<3200000x16xf32, #tpu.memory_space<hbm>> -> memref<128x16xf32, #tpu.memory_space<hbm>>
          tpu.wait_dma2 semaphore(%run_scoped3A : memref<!tpu.dma_semaphore, #tpu.memory_space<semaphore_mem>>) src(%arg6 : memref<128x16xf32, #tpu.memory_space<vmem>>) dst(%dma_wait3A_138 : memref<128x16xf32, #tpu.memory_space<hbm>>)
          tpu.yield
        }) : () -> ()
      } else {
      }
    }
    %scan3A_4 = arith.constant 782 : i32
    return
  }
}

module attributes {stable_mosaic.version = 14 : i64} {
  func.func @_mom_feat_kernel(%arg0: i32, %arg1: memref<1600x8xf32, #tpu.memory_space<vmem>>, %arg2: memref<16x16xf32, #tpu.memory_space<vmem>>) attributes {dimension_semantics = [#tpu.dimension_semantics<arbitrary>], iteration_bounds = array<i64: 125>, scalar_prefetch = 0 : i64, scratch_operands = 0 : i64, tpu.core_type = #tpu.core_type<tc>, window_params = [{transform_indices = @transform_0, window_bounds = array<i64: 1600, 8>}, {pipeline_mode = #tpu.pipeline_mode<synchronous>, transform_indices = @transform_1, window_bounds = array<i64: 16, 16>}]} {
    %get3A = arith.constant 0 : index
    %get3A_0 = arith.constant 0 : index
    %get3A_1 = vector.load %arg1[%get3A, %get3A_0] : memref<1600x8xf32, #tpu.memory_space<vmem>>, vector<1600x8xf32>
    %broadcast_in_dim3A = arith.constant 1.000000e+00 : f32
    %broadcast_in_dim3A_2 = vector.broadcast %broadcast_in_dim3A : f32 to vector<1600x1xf32>
    %broadcast_in_dim3A_3 = arith.constant 0.000000e+00 : f32
    %broadcast_in_dim3A_4 = vector.broadcast %broadcast_in_dim3A_3 : f32 to vector<1600x7xf32>
    %concatenate3A = tpu.concatenate %get3A_1, %broadcast_in_dim3A_2, %broadcast_in_dim3A_4 in 1 : vector<1600x8xf32>, vector<1600x1xf32>, vector<1600x7xf32> -> vector<1600x16xf32>
    %dot_general3A = arith.constant dense<0.000000e+00> : vector<16x16xf32>
    %dot_general3A_5 = tpu.matmul %concatenate3A, %concatenate3A, %dot_general3A {dimension_numbers = #tpu.dot_dimension_numbers<[0], [0], [1], [1], [0, 1, 1, 1], [], []>, transpose_lhs_hint = false} : vector<1600x16xf32>, vector<1600x16xf32>, vector<16x16xf32> -> vector<16x16xf32>
    %eq3A = arith.constant 0 : i32
    %eq3A_6 = arith.cmpi eq, %arg0, %eq3A : i32
    %convert_element_type3A = arith.extui %eq3A_6 : i1 to i32
    %cond3A = arith.constant 0 : i32
    %cond3A_7 = arith.cmpi ne, %convert_element_type3A, %cond3A : i32
    scf.if %cond3A_7 {
      %broadcast_in_dim3A_13 = arith.constant 0.000000e+00 : f32
      %broadcast_in_dim3A_14 = vector.broadcast %broadcast_in_dim3A_13 : f32 to vector<16x16xf32>
      %swap3A_15 = arith.constant 0 : index
      %swap3A_16 = arith.constant 0 : index
      %swap3A_17 = vector.load %arg2[%swap3A_15, %swap3A_16] : memref<16x16xf32, #tpu.memory_space<vmem>>, vector<16x16xf32>
      tpu.vector_store %arg2[%swap3A_15, %swap3A_16], %broadcast_in_dim3A_14 {strides = array<i32>} : memref<16x16xf32, #tpu.memory_space<vmem>>, vector<16x16xf32>,
    } else {
    }
    %get3A_8 = arith.constant 0 : index
    %get3A_9 = arith.constant 0 : index
    %get3A_10 = vector.load %arg2[%get3A_8, %get3A_9] : memref<16x16xf32, #tpu.memory_space<vmem>>, vector<16x16xf32>
    %add3A = arith.addf %get3A_10, %dot_general3A_5 : vector<16x16xf32>
    %swap3A = arith.constant 0 : index
    %swap3A_11 = arith.constant 0 : index
    %swap3A_12 = vector.load %arg2[%swap3A, %swap3A_11] : memref<16x16xf32, #tpu.memory_space<vmem>>, vector<16x16xf32>
    tpu.vector_store %arg2[%swap3A, %swap3A_11], %add3A {strides = array<i32>} : memref<16x16xf32, #tpu.memory_space<vmem>>, vector<16x16xf32>,
    return
  }
  func.func @transform_0(%arg0: i32) -> (i32, i32) {
    %c0_i32 = arith.constant 0 : i32
    %c0_i32_0 = arith.constant 0 : i32
    return %arg0, %c0_i32 : i32, i32
  }
  func.func @transform_1(%arg0: i32) -> (i32, i32) {
    %c0_i32 = arith.constant 0 : i32
    %c0_i32_0 = arith.constant 0 : i32
    %c0_i32_1 = arith.constant 0 : i32
    return %c0_i32, %c0_i32_0 : i32, i32
  }
}

module attributes {stable_mosaic.version = 14 : i64} {
  func.func @_table1_kernel(%arg0: i32, %arg1: memref<1600x8xf32, #tpu.memory_space<vmem>>, %arg2: memref<1600x3xf32, #tpu.memory_space<vmem>>, %arg3: memref<16x16xf32, #tpu.memory_space<vmem>>, %arg4: memref<1600x128xf32, #tpu.memory_space<vmem>>) attributes {dimension_semantics = [#tpu.dimension_semantics<arbitrary>], iteration_bounds = array<i64: 125>, scalar_prefetch = 0 : i64, scratch_operands = 0 : i64, tpu.core_type = #tpu.core_type<tc>, window_params = [{transform_indices = @transform_0, window_bounds = array<i64: 1600, 8>}, {transform_indices = @transform_1, window_bounds = array<i64: 1600, 3>}, {pipeline_mode = #tpu.pipeline_mode<synchronous>, transform_indices = @transform_2, window_bounds = array<i64: 16, 16>}, {transform_indices = @transform_3, window_bounds = array<i64: 1600, 128>}]} {
    %get3A = arith.constant 0 : index
    %get3A_0 = arith.constant 0 : index
    %get3A_1 = vector.load %arg1[%get3A, %get3A_0] : memref<1600x8xf32, #tpu.memory_space<vmem>>, vector<1600x8xf32>
    %get3A_2 = arith.constant 0 : index
    %get3A_3 = arith.constant 0 : index
    %get3A_4 = vector.load %arg3[%get3A_2, %get3A_3] : memref<16x16xf32, #tpu.memory_space<vmem>>, vector<16x16xf32>
    %slice3A = vector.extract_strided_slice %get3A_4 {offsets = [0, 0], sizes = [8, 8], strides = [1, 1]} : vector<16x16xf32> to vector<8x8xf32>
    %dot_general3A = arith.constant dense<0.000000e+00> : vector<1600x8xf32>
    %dot_general3A_5 = tpu.matmul %get3A_1, %slice3A, %dot_general3A {dimension_numbers = #tpu.dot_dimension_numbers<[1], [0], [0], [1], [0, 0, 1, 1], [], []>, precision = #tpu.contract_precision<fp32>, transpose_lhs_hint = false} : vector<1600x8xf32>, vector<8x8xf32>, vector<1600x8xf32> -> vector<1600x8xf32>
    %slice3A_6 = vector.extract_strided_slice %get3A_4 {offsets = [8, 0], sizes = [1, 8], strides = [1, 1]} : vector<16x16xf32> to vector<1x8xf32>
    %add3A = vector.broadcast %slice3A_6 : vector<1x8xf32> to vector<1600x8xf32>
    %add3A_7 = arith.addf %dot_general3A_5, %add3A : vector<1600x8xf32>
    %max3A = arith.constant 0.000000e+00 : f32
    %max3A_8 = vector.broadcast %max3A : f32 to vector<1600x8xf32>
    %max3A_9 = arith.maximumf %add3A_7, %max3A_8 : vector<1600x8xf32>
    %get3A_10 = arith.constant 0 : index
    %get3A_11 = arith.constant 0 : index
    %get3A_12 = vector.load %arg2[%get3A_10, %get3A_11] : memref<1600x3xf32, #tpu.memory_space<vmem>>, vector<1600x3xf32>
    %broadcast_in_dim3A = arith.constant 0.000000e+00 : f32
    %broadcast_in_dim3A_13 = vector.broadcast %broadcast_in_dim3A : f32 to vector<1600x5xf32>
    %concatenate3A = tpu.concatenate %get3A_12, %max3A_9, %broadcast_in_dim3A_13 in 1 : vector<1600x3xf32>, vector<1600x8xf32>, vector<1600x5xf32> -> vector<1600x16xf32>
    %concatenate3A_14 = tpu.concatenate %concatenate3A, %concatenate3A, %concatenate3A, %concatenate3A, %concatenate3A, %concatenate3A, %concatenate3A, %concatenate3A in 1 : vector<1600x16xf32>, vector<1600x16xf32>, vector<1600x16xf32>, vector<1600x16xf32>, vector<1600x16xf32>, vector<1600x16xf32>, vector<1600x16xf32>, vector<1600x16xf32> -> vector<1600x128xf32>
    %swap3A = arith.constant 0 : index
    %swap3A_15 = arith.constant 0 : index
    %swap3A_16 = vector.load %arg4[%swap3A, %swap3A_15] : memref<1600x128xf32, #tpu.memory_space<vmem>>, vector<1600x128xf32>
    tpu.vector_store %arg4[%swap3A, %swap3A_15], %concatenate3A_14 {strides = array<i32>} : memref<1600x128xf32, #tpu.memory_space<vmem>>, vector<1600x128xf32>,
    return
  }
  func.func @transform_0(%arg0: i32) -> (i32, i32) {
    %c0_i32 = arith.constant 0 : i32
    %c0_i32_0 = arith.constant 0 : i32
    return %arg0, %c0_i32 : i32, i32
  }
  func.func @transform_1(%arg0: i32) -> (i32, i32) {
    %c0_i32 = arith.constant 0 : i32
    %c0_i32_0 = arith.constant 0 : i32
    return %arg0, %c0_i32 : i32, i32
  }
  func.func @transform_2(%arg0: i32) -> (i32, i32) {
    %c0_i32 = arith.constant 0 : i32
    %c0_i32_0 = arith.constant 0 : i32
    %c0_i32_1 = arith.constant 0 : i32
    return %c0_i32, %c0_i32_0 : i32, i32
  }
  func.func @transform_3(%arg0: i32) -> (i32, i32) {
    %c0_i32 = arith.constant 0 : i32
    %c0_i32_0 = arith.constant 0 : i32
    return %arg0, %c0_i32 : i32, i32
  }
}

module attributes {stable_mosaic.version = 14 : i64} {
  func.func @_mom2_kernel(%arg0: i32, %arg1: memref<640x128xf32, #tpu.memory_space<vmem>>, %arg2: memref<320x128xf32, #tpu.memory_space<vmem>>, %arg3: memref<128x128xf32, #tpu.memory_space<vmem>>, %arg4: memref<128x128xf32, #tpu.memory_space<vmem>>, %arg5: memref<128x128xf32, #tpu.memory_space<vmem>>, %arg6: memref<128x128xf32, #tpu.memory_space<vmem>>, %arg7: memref<8x128xf32, #tpu.memory_space<vmem>>, %arg8: memref<24x16xf32, #tpu.memory_space<vmem>>) attributes {dimension_semantics = [#tpu.dimension_semantics<arbitrary>], iteration_bounds = array<i64: 625>, scalar_prefetch = 0 : i64, scratch_operands = 0 : i64, tpu.core_type = #tpu.core_type<tc>, window_params = [{transform_indices = @transform_0, window_bounds = array<i64: 640, 128>}, {transform_indices = @transform_1, window_bounds = array<i64: 320, 128>}, {pipeline_mode = #tpu.pipeline_mode<synchronous>, transform_indices = @transform_2, window_bounds = array<i64: 128, 128>}, {pipeline_mode = #tpu.pipeline_mode<synchronous>, transform_indices = @transform_3, window_bounds = array<i64: 128, 128>}, {pipeline_mode = #tpu.pipeline_mode<synchronous>, transform_indices = @transform_4, window_bounds = array<i64: 128, 128>}, {pipeline_mode = #tpu.pipeline_mode<synchronous>, transform_indices = @transform_5, window_bounds = array<i64: 128, 128>}, {pipeline_mode = #tpu.pipeline_mode<synchronous>, transform_indices = @transform_6, window_bounds = array<i64: 8, 128>}, {pipeline_mode = #tpu.pipeline_mode<synchronous>, transform_indices = @transform_7, window_bounds = array<i64: 24, 16>}]} {
    %get3A = arith.constant 0 : index
    %get3A_0 = arith.constant 0 : index
    %get3A_1 = vector.load %arg1[%get3A, %get3A_0] : memref<640x128xf32, #tpu.memory_space<vmem>>, vector<640x128xf32>
    %get3A_2 = arith.constant 0 : index
    %get3A_3 = arith.constant 0 : index
    %get3A_4 = vector.load %arg2[%get3A_2, %get3A_3] : memref<320x128xf32, #tpu.memory_space<vmem>>, vector<320x128xf32>
    %reshape3A = vector.shape_cast %get3A_4 : vector<320x128xf32> to vector<320x1x128xf32>
    %broadcast_in_dim3A = vector.shape_cast %reshape3A : vector<320x1x128xf32> to vector<320x1x1x128xf32>
    %broadcast_in_dim3A_5 = vector.broadcast %broadcast_in_dim3A : vector<320x1x1x128xf32> to vector<320x1x2x128xf32>
    %reshape3A_6 = vector.shape_cast %broadcast_in_dim3A_5 : vector<320x1x2x128xf32> to vector<320x2x128xf32>
    %reshape3A_7 = vector.shape_cast %reshape3A_6 : vector<320x2x128xf32> to vector<640x128xf32>
    %sub3A = arith.subf %reshape3A_7, %get3A_1 : vector<640x128xf32>
    %mul3A = arith.mulf %sub3A, %sub3A : vector<640x128xf32>
    %get3A_8 = arith.constant 0 : index
    %get3A_9 = arith.constant 0 : index
    %get3A_10 = vector.load %arg3[%get3A_8, %get3A_9] : memref<128x128xf32, #tpu.memory_space<vmem>>, vector<128x128xf32>
    %dot_general3A = arith.constant dense<0.000000e+00> : vector<640x128xf32>
    %dot_general3A_11 = tpu.matmul %mul3A, %get3A_10, %dot_general3A {dimension_numbers = #tpu.dot_dimension_numbers<[1], [0], [0], [1], [0, 0, 1, 1], [], []>, precision = #tpu.contract_precision<fp32>, transpose_lhs_hint = false} : vector<640x128xf32>, vector<128x128xf32>, vector<640x128xf32> -> vector<640x128xf32>
    %add3A = arith.constant 9.99999996E-13 : f32
    %add3A_12 = vector.broadcast %add3A : f32 to vector<640x128xf32>
    %add3A_13 = arith.addf %dot_general3A_11, %add3A_12 : vector<640x128xf32>
    %sqrt3A = math.sqrt %add3A_13 : vector<640x128xf32>
    %get3A_14 = arith.constant 0 : index
    %get3A_15 = arith.constant 0 : index
    %get3A_16 = vector.load %arg4[%get3A_14, %get3A_15] : memref<128x128xf32, #tpu.memory_space<vmem>>, vector<128x128xf32>
    %dot_general3A_17 = arith.constant dense<0.000000e+00> : vector<640x128xf32>
    %dot_general3A_18 = tpu.matmul %sqrt3A, %get3A_16, %dot_general3A_17 {dimension_numbers = #tpu.dot_dimension_numbers<[1], [0], [0], [1], [0, 0, 1, 1], [], []>, precision = #tpu.contract_precision<fp32>, transpose_lhs_hint = false} : vector<640x128xf32>, vector<128x128xf32>, vector<640x128xf32> -> vector<640x128xf32>
    %get3A_19 = arith.constant 0 : index
    %get3A_20 = arith.constant 0 : index
    %get3A_21 = vector.load %arg5[%get3A_19, %get3A_20] : memref<128x128xf32, #tpu.memory_space<vmem>>, vector<128x128xf32>
    %dot_general3A_22 = arith.constant dense<0.000000e+00> : vector<640x128xf32>
    %dot_general3A_23 = tpu.matmul %reshape3A_7, %get3A_21, %dot_general3A_22 {dimension_numbers = #tpu.dot_dimension_numbers<[1], [0], [0], [1], [0, 0, 1, 1], [], []>, precision = #tpu.contract_precision<fp32>, transpose_lhs_hint = false} : vector<640x128xf32>, vector<128x128xf32>, vector<640x128xf32> -> vector<640x128xf32>
    %add3A_24 = arith.addf %dot_general3A_18, %dot_general3A_23 : vector<640x128xf32>
    %get3A_25 = arith.constant 0 : index
    %get3A_26 = arith.constant 0 : index
    %get3A_27 = vector.load %arg6[%get3A_25, %get3A_26] : memref<128x128xf32, #tpu.memory_space<vmem>>, vector<128x128xf32>
    %dot_general3A_28 = arith.constant dense<0.000000e+00> : vector<640x128xf32>
    %dot_general3A_29 = tpu.matmul %get3A_1, %get3A_27, %dot_general3A_28 {dimension_numbers = #tpu.dot_dimension_numbers<[1], [0], [0], [1], [0, 0, 1, 1], [], []>, precision = #tpu.contract_precision<fp32>, transpose_lhs_hint = false} : vector<640x128xf32>, vector<128x128xf32>, vector<640x128xf32> -> vector<640x128xf32>
    %add3A_30 = arith.addf %add3A_24, %dot_general3A_29 : vector<640x128xf32>
    %get3A_31 = arith.constant 0 : index
    %get3A_32 = arith.constant 0 : index
    %get3A_33 = vector.load %arg7[%get3A_31, %get3A_32] : memref<8x128xf32, #tpu.memory_space<vmem>>, vector<1x128xf32>
    %add3A_34 = vector.broadcast %get3A_33 : vector<1x128xf32> to vector<640x128xf32>
    %add3A_35 = arith.addf %add3A_30, %add3A_34 : vector<640x128xf32>
    %dot_general3A_36 = arith.constant dense<0.000000e+00> : vector<128x128xf32>
    %dot_general3A_37 = tpu.matmul %add3A_35, %add3A_35, %dot_general3A_36 {dimension_numbers = #tpu.dot_dimension_numbers<[0], [0], [1], [1], [0, 1, 1, 1], [], []>, transpose_lhs_hint = false} : vector<640x128xf32>, vector<640x128xf32>, vector<128x128xf32> -> vector<128x128xf32>
    %broadcast_in_dim3A_38 = arith.constant 0.000000e+00 : f32
    %broadcast_in_dim3A_39 = vector.broadcast %broadcast_in_dim3A_38 : f32 to vector<16x16xf32>
    %slice3A = vector.extract_strided_slice %dot_general3A_37 {offsets = [0, 0], sizes = [16, 16], strides = [1, 1]} : vector<128x128xf32> to vector<16x16xf32>
    %add3A_40 = arith.addf %broadcast_in_dim3A_39, %slice3A : vector<16x16xf32>
    %slice3A_41 = vector.extract_strided_slice %dot_general3A_37 {offsets = [16, 16], sizes = [16, 16], strides = [1, 1]} : vector<128x128xf32> to vector<16x16xf32>
    %add3A_42 = arith.addf %add3A_40, %slice3A_41 : vector<16x16xf32>
    %slice3A_43 = vector.extract_strided_slice %dot_general3A_37 {offsets = [32, 32], sizes = [16, 16], strides = [1, 1]} : vector<128x128xf32> to vector<16x16xf32>
    %add3A_44 = arith.addf %add3A_42, %slice3A_43 : vector<16x16xf32>
    %slice3A_45 = vector.extract_strided_slice %dot_general3A_37 {offsets = [48, 48], sizes = [16, 16], strides = [1, 1]} : vector<128x128xf32> to vector<16x16xf32>
    %add3A_46 = arith.addf %add3A_44, %slice3A_45 : vector<16x16xf32>
    %slice3A_47 = vector.extract_strided_slice %dot_general3A_37 {offsets = [64, 64], sizes = [16, 16], strides = [1, 1]} : vector<128x128xf32> to vector<16x16xf32>
    %add3A_48 = arith.addf %add3A_46, %slice3A_47 : vector<16x16xf32>
    %slice3A_49 = vector.extract_strided_slice %dot_general3A_37 {offsets = [80, 80], sizes = [16, 16], strides = [1, 1]} : vector<128x128xf32> to vector<16x16xf32>
    %add3A_50 = arith.addf %add3A_48, %slice3A_49 : vector<16x16xf32>
    %slice3A_51 = vector.extract_strided_slice %dot_general3A_37 {offsets = [96, 96], sizes = [16, 16], strides = [1, 1]} : vector<128x128xf32> to vector<16x16xf32>
    %add3A_52 = arith.addf %add3A_50, %slice3A_51 : vector<16x16xf32>
    %slice3A_53 = vector.extract_strided_slice %dot_general3A_37 {offsets = [112, 112], sizes = [16, 16], strides = [1, 1]} : vector<128x128xf32> to vector<16x16xf32>
    %add3A_54 = arith.addf %add3A_52, %slice3A_53 : vector<16x16xf32>
    %reduce_sum3A = arith.constant dense<0.000000e+00> : vector<128xf32>
    %reduce_sum3A_55 = vector.multi_reduction <add>, %add3A_35, %reduce_sum3A [0] : vector<640x128xf32> to vector<128xf32>
    %broadcast_in_dim3A_56 = vector.shape_cast %reduce_sum3A_55 : vector<128xf32> to vector<1x128xf32>
    %broadcast_in_dim3A_57 = arith.constant 0.000000e+00 : f32
    %broadcast_in_dim3A_58 = vector.broadcast %broadcast_in_dim3A_57 : f32 to vector<1x16xf32>
    %slice3A_59 = vector.extract_strided_slice %broadcast_in_dim3A_56 {offsets = [0, 0], sizes = [1, 16], strides = [1, 1]} : vector<1x128xf32> to vector<1x16xf32>
    %add3A_60 = arith.addf %broadcast_in_dim3A_58, %slice3A_59 : vector<1x16xf32>
    %slice3A_61 = vector.extract_strided_slice %broadcast_in_dim3A_56 {offsets = [0, 16], sizes = [1, 16], strides = [1, 1]} : vector<1x128xf32> to vector<1x16xf32>
    %add3A_62 = arith.addf %add3A_60, %slice3A_61 : vector<1x16xf32>
    %slice3A_63 = vector.extract_strided_slice %broadcast_in_dim3A_56 {offsets = [0, 32], sizes = [1, 16], strides = [1, 1]} : vector<1x128xf32> to vector<1x16xf32>
    %add3A_64 = arith.addf %add3A_62, %slice3A_63 : vector<1x16xf32>
    %slice3A_65 = vector.extract_strided_slice %broadcast_in_dim3A_56 {offsets = [0, 48], sizes = [1, 16], strides = [1, 1]} : vector<1x128xf32> to vector<1x16xf32>
    %add3A_66 = arith.addf %add3A_64, %slice3A_65 : vector<1x16xf32>
    %slice3A_67 = vector.extract_strided_slice %broadcast_in_dim3A_56 {offsets = [0, 64], sizes = [1, 16], strides = [1, 1]} : vector<1x128xf32> to vector<1x16xf32>
    %add3A_68 = arith.addf %add3A_66, %slice3A_67 : vector<1x16xf32>
    %slice3A_69 = vector.extract_strided_slice %broadcast_in_dim3A_56 {offsets = [0, 80], sizes = [1, 16], strides = [1, 1]} : vector<1x128xf32> to vector<1x16xf32>
    %add3A_70 = arith.addf %add3A_68, %slice3A_69 : vector<1x16xf32>
    %slice3A_71 = vector.extract_strided_slice %broadcast_in_dim3A_56 {offsets = [0, 96], sizes = [1, 16], strides = [1, 1]} : vector<1x128xf32> to vector<1x16xf32>
    %add3A_72 = arith.addf %add3A_70, %slice3A_71 : vector<1x16xf32>
    %slice3A_73 = vector.extract_strided_slice %broadcast_in_dim3A_56 {offsets = [0, 112], sizes = [1, 16], strides = [1, 1]} : vector<1x128xf32> to vector<1x16xf32>
    %add3A_74 = arith.addf %add3A_72, %slice3A_73 : vector<1x16xf32>
    %broadcast_in_dim3A_75 = arith.constant 0.000000e+00 : f32
    %broadcast_in_dim3A_76 = vector.broadcast %broadcast_in_dim3A_75 : f32 to vector<7x16xf32>
    %concatenate3A = tpu.concatenate %add3A_54, %add3A_74, %broadcast_in_dim3A_76 in 0 : vector<16x16xf32>, vector<1x16xf32>, vector<7x16xf32> -> vector<24x16xf32>
    %eq3A = arith.constant 0 : i32
    %eq3A_77 = arith.cmpi eq, %arg0, %eq3A : i32
    %convert_element_type3A = arith.extui %eq3A_77 : i1 to i32
    %cond3A = arith.constant 0 : i32
    %cond3A_78 = arith.cmpi ne, %convert_element_type3A, %cond3A : i32
    scf.if %cond3A_78 {
      %broadcast_in_dim3A_85 = arith.constant 0.000000e+00 : f32
      %broadcast_in_dim3A_86 = vector.broadcast %broadcast_in_dim3A_85 : f32 to vector<24x16xf32>
      %swap3A_87 = arith.constant 0 : index
      %swap3A_88 = arith.constant 0 : index
      %swap3A_89 = vector.load %arg8[%swap3A_87, %swap3A_88] : memref<24x16xf32, #tpu.memory_space<vmem>>, vector<24x16xf32>
      tpu.vector_store %arg8[%swap3A_87, %swap3A_88], %broadcast_in_dim3A_86 {strides = array<i32>} : memref<24x16xf32, #tpu.memory_space<vmem>>, vector<24x16xf32>,
    } else {
    }
    %get3A_79 = arith.constant 0 : index
    %get3A_80 = arith.constant 0 : index
    %get3A_81 = vector.load %arg8[%get3A_79, %get3A_80] : memref<24x16xf32, #tpu.memory_space<vmem>>, vector<24x16xf32>
    %add3A_82 = arith.addf %get3A_81, %concatenate3A : vector<24x16xf32>
    %swap3A = arith.constant 0 : index
    %swap3A_83 = arith.constant 0 : index
    %swap3A_84 = vector.load %arg8[%swap3A, %swap3A_83] : memref<24x16xf32, #tpu.memory_space<vmem>>, vector<24x16xf32>
    tpu.vector_store %arg8[%swap3A, %swap3A_83], %add3A_82 {strides = array<i32>} : memref<24x16xf32, #tpu.memory_space<vmem>>, vector<24x16xf32>,
    return
  }
  func.func @transform_0(%arg0: i32) -> (i32, i32) {
    %c0_i32 = arith.constant 0 : i32
    %c0_i32_0 = arith.constant 0 : i32
    return %arg0, %c0_i32 : i32, i32
  }
  func.func @transform_1(%arg0: i32) -> (i32, i32) {
    %c0_i32 = arith.constant 0 : i32
    %c0_i32_0 = arith.constant 0 : i32
    return %arg0, %c0_i32 : i32, i32
  }
  func.func @transform_2(%arg0: i32) -> (i32, i32) {
    %c0_i32 = arith.constant 0 : i32
    %c0_i32_0 = arith.constant 0 : i32
    %c0_i32_1 = arith.constant 0 : i32
    return %c0_i32, %c0_i32_0 : i32, i32
  }
  func.func @transform_3(%arg0: i32) -> (i32, i32) {
    %c0_i32 = arith.constant 0 : i32
    %c0_i32_0 = arith.constant 0 : i32
    %c0_i32_1 = arith.constant 0 : i32
    return %c0_i32, %c0_i32_0 : i32, i32
  }
  func.func @transform_4(%arg0: i32) -> (i32, i32) {
    %c0_i32 = arith.constant 0 : i32
    %c0_i32_0 = arith.constant 0 : i32
    %c0_i32_1 = arith.constant 0 : i32
    return %c0_i32, %c0_i32_0 : i32, i32
  }
  func.func @transform_5(%arg0: i32) -> (i32, i32) {
    %c0_i32 = arith.constant 0 : i32
    %c0_i32_0 = arith.constant 0 : i32
    %c0_i32_1 = arith.constant 0 : i32
    return %c0_i32, %c0_i32_0 : i32, i32
  }
  func.func @transform_6(%arg0: i32) -> (i32, i32) {
    %c0_i32 = arith.constant 0 : i32
    %c0_i32_0 = arith.constant 0 : i32
    %c0_i32_1 = arith.constant 0 : i32
    return %c0_i32, %c0_i32_0 : i32, i32
  }
  func.func @transform_7(%arg0: i32) -> (i32, i32) {
    %c0_i32 = arith.constant 0 : i32
    %c0_i32_0 = arith.constant 0 : i32
    %c0_i32_1 = arith.constant 0 : i32
    return %c0_i32, %c0_i32_0 : i32, i32
  }
}

module attributes {stable_mosaic.version = 14 : i64} {
  func.func @_stage2_kernel(%arg0: i32, %arg1: memref<640x128xf32, #tpu.memory_space<vmem>>, %arg2: memref<320x128xf32, #tpu.memory_space<vmem>>, %arg3: memref<128x128xf32, #tpu.memory_space<vmem>>, %arg4: memref<128x128xf32, #tpu.memory_space<vmem>>, %arg5: memref<128x128xf32, #tpu.memory_space<vmem>>, %arg6: memref<128x128xf32, #tpu.memory_space<vmem>>, %arg7: memref<8x128xf32, #tpu.memory_space<vmem>>, %arg8: memref<128x128xf32, #tpu.memory_space<vmem>>, %arg9: memref<128x128xf32, #tpu.memory_space<vmem>>, %arg10: memref<320x128xf32, #tpu.memory_space<vmem>>, %arg11: memref<640x128xf32, #tpu.memory_space<vmem>>, %arg12: memref<48x16xf32, #tpu.memory_space<vmem>>) attributes {dimension_semantics = [#tpu.dimension_semantics<arbitrary>], iteration_bounds = array<i64: 625>, scalar_prefetch = 0 : i64, scratch_operands = 0 : i64, tpu.core_type = #tpu.core_type<tc>, window_params = [{transform_indices = @transform_0, window_bounds = array<i64: 640, 128>}, {transform_indices = @transform_1, window_bounds = array<i64: 320, 128>}, {pipeline_mode = #tpu.pipeline_mode<synchronous>, transform_indices = @transform_2, window_bounds = array<i64: 128, 128>}, {pipeline_mode = #tpu.pipeline_mode<synchronous>, transform_indices = @transform_3, window_bounds = array<i64: 128, 128>}, {pipeline_mode = #tpu.pipeline_mode<synchronous>, transform_indices = @transform_4, window_bounds = array<i64: 128, 128>}, {pipeline_mode = #tpu.pipeline_mode<synchronous>, transform_indices = @transform_5, window_bounds = array<i64: 128, 128>}, {pipeline_mode = #tpu.pipeline_mode<synchronous>, transform_indices = @transform_6, window_bounds = array<i64: 8, 128>}, {pipeline_mode = #tpu.pipeline_mode<synchronous>, transform_indices = @transform_7, window_bounds = array<i64: 128, 128>}, {pipeline_mode = #tpu.pipeline_mode<synchronous>, transform_indices = @transform_8, window_bounds = array<i64: 128, 128>}, {transform_indices = @transform_9, window_bounds = array<i64: 320, 128>}, {transform_indices = @transform_10, window_bounds = array<i64: 640, 128>}, {pipeline_mode = #tpu.pipeline_mode<synchronous>, transform_indices = @transform_11, window_bounds = array<i64: 48, 16>}]} {
    %get3A = arith.constant 0 : index
    %get3A_0 = arith.constant 0 : index
    %get3A_1 = vector.load %arg1[%get3A, %get3A_0] : memref<640x128xf32, #tpu.memory_space<vmem>>, vector<640x128xf32>
    %get3A_2 = arith.constant 0 : index
    %get3A_3 = arith.constant 0 : index
    %get3A_4 = vector.load %arg2[%get3A_2, %get3A_3] : memref<320x128xf32, #tpu.memory_space<vmem>>, vector<320x128xf32>
    %reshape3A = vector.shape_cast %get3A_4 : vector<320x128xf32> to vector<320x1x128xf32>
    %broadcast_in_dim3A = vector.shape_cast %reshape3A : vector<320x1x128xf32> to vector<320x1x1x128xf32>
    %broadcast_in_dim3A_5 = vector.broadcast %broadcast_in_dim3A : vector<320x1x1x128xf32> to vector<320x1x2x128xf32>
    %reshape3A_6 = vector.shape_cast %broadcast_in_dim3A_5 : vector<320x1x2x128xf32> to vector<320x2x128xf32>
    %reshape3A_7 = vector.shape_cast %reshape3A_6 : vector<320x2x128xf32> to vector<640x128xf32>
    %sub3A = arith.subf %reshape3A_7, %get3A_1 : vector<640x128xf32>
    %mul3A = arith.mulf %sub3A, %sub3A : vector<640x128xf32>
    %get3A_8 = arith.constant 0 : index
    %get3A_9 = arith.constant 0 : index
    %get3A_10 = vector.load %arg3[%get3A_8, %get3A_9] : memref<128x128xf32, #tpu.memory_space<vmem>>, vector<128x128xf32>
    %dot_general3A = arith.constant dense<0.000000e+00> : vector<640x128xf32>
    %dot_general3A_11 = tpu.matmul %mul3A, %get3A_10, %dot_general3A {dimension_numbers = #tpu.dot_dimension_numbers<[1], [0], [0], [1], [0, 0, 1, 1], [], []>, precision = #tpu.contract_precision<fp32>, transpose_lhs_hint = false} : vector<640x128xf32>, vector<128x128xf32>, vector<640x128xf32> -> vector<640x128xf32>
    %add3A = arith.constant 9.99999996E-13 : f32
    %add3A_12 = vector.broadcast %add3A : f32 to vector<640x128xf32>
    %add3A_13 = arith.addf %dot_general3A_11, %add3A_12 : vector<640x128xf32>
    %sqrt3A = math.sqrt %add3A_13 : vector<640x128xf32>
    %get3A_14 = arith.constant 0 : index
    %get3A_15 = arith.constant 0 : index
    %get3A_16 = vector.load %arg4[%get3A_14, %get3A_15] : memref<128x128xf32, #tpu.memory_space<vmem>>, vector<128x128xf32>
    %dot_general3A_17 = arith.constant dense<0.000000e+00> : vector<640x128xf32>
    %dot_general3A_18 = tpu.matmul %sqrt3A, %get3A_16, %dot_general3A_17 {dimension_numbers = #tpu.dot_dimension_numbers<[1], [0], [0], [1], [0, 0, 1, 1], [], []>, precision = #tpu.contract_precision<fp32>, transpose_lhs_hint = false} : vector<640x128xf32>, vector<128x128xf32>, vector<640x128xf32> -> vector<640x128xf32>
    %get3A_19 = arith.constant 0 : index
    %get3A_20 = arith.constant 0 : index
    %get3A_21 = vector.load %arg5[%get3A_19, %get3A_20] : memref<128x128xf32, #tpu.memory_space<vmem>>, vector<128x128xf32>
    %dot_general3A_22 = arith.constant dense<0.000000e+00> : vector<640x128xf32>
    %dot_general3A_23 = tpu.matmul %reshape3A_7, %get3A_21, %dot_general3A_22 {dimension_numbers = #tpu.dot_dimension_numbers<[1], [0], [0], [1], [0, 0, 1, 1], [], []>, precision = #tpu.contract_precision<fp32>, transpose_lhs_hint = false} : vector<640x128xf32>, vector<128x128xf32>, vector<640x128xf32> -> vector<640x128xf32>
    %add3A_24 = arith.addf %dot_general3A_18, %dot_general3A_23 : vector<640x128xf32>
    %get3A_25 = arith.constant 0 : index
    %get3A_26 = arith.constant 0 : index
    %get3A_27 = vector.load %arg6[%get3A_25, %get3A_26] : memref<128x128xf32, #tpu.memory_space<vmem>>, vector<128x128xf32>
    %dot_general3A_28 = arith.constant dense<0.000000e+00> : vector<640x128xf32>
    %dot_general3A_29 = tpu.matmul %get3A_1, %get3A_27, %dot_general3A_28 {dimension_numbers = #tpu.dot_dimension_numbers<[1], [0], [0], [1], [0, 0, 1, 1], [], []>, precision = #tpu.contract_precision<fp32>, transpose_lhs_hint = false} : vector<640x128xf32>, vector<128x128xf32>, vector<640x128xf32> -> vector<640x128xf32>
    %add3A_30 = arith.addf %add3A_24, %dot_general3A_29 : vector<640x128xf32>
    %get3A_31 = arith.constant 0 : index
    %get3A_32 = arith.constant 0 : index
    %get3A_33 = vector.load %arg7[%get3A_31, %get3A_32] : memref<8x128xf32, #tpu.memory_space<vmem>>, vector<1x128xf32>
    %add3A_34 = vector.broadcast %get3A_33 : vector<1x128xf32> to vector<640x128xf32>
    %add3A_35 = arith.addf %add3A_30, %add3A_34 : vector<640x128xf32>
    %max3A = arith.constant 0.000000e+00 : f32
    %max3A_36 = vector.broadcast %max3A : f32 to vector<640x128xf32>
    %max3A_37 = arith.maximumf %add3A_35, %max3A_36 : vector<640x128xf32>
    %iota3A = tpu.iota {dimensions = array<i32: 1>} : vector<1x128xi32>
    %jit3A = arith.constant 16 : i32
    %eq3A = arith.constant 0 : i32
    %eq3A_38 = arith.cmpi eq, %jit3A, %eq3A : i32
    %jit3A_39 = arith.constant 1 : i32
    %select_n3A = arith.select %eq3A_38, %jit3A_39, %jit3A : i32
    %rem3A = vector.broadcast %select_n3A : i32 to vector<1x128xi32>
    %rem3A_40 = arith.remsi %iota3A, %rem3A : vector<1x128xi32>
    %ne3A = arith.constant 0 : i32
    %ne3A_41 = vector.broadcast %ne3A : i32 to vector<1x128xi32>
    %ne3A_42 = arith.cmpi ne, %rem3A_40, %ne3A_41 : vector<1x128xi32>
    %lt3A = arith.constant 0 : i32
    %lt3A_43 = vector.broadcast %lt3A : i32 to vector<1x128xi32>
    %lt3A_44 = arith.cmpi slt, %rem3A_40, %lt3A_43 : vector<1x128xi32>
    %lt3A_45 = arith.constant 0 : i32
    %lt3A_46 = arith.cmpi slt, %select_n3A, %lt3A_45 : i32
    %ne3A_47 = vector.broadcast %lt3A_46 : i1 to vector<1x128xi1>
    %ne3A_48 = vector.broadcast %ne3A_47 : vector<1x128xi1> to vector<1x128xi1>
    %ne3A_49 = arith.xori %lt3A_44, %ne3A_48 : vector<1x128xi1>
    %and3A = arith.andi %ne3A_49, %ne3A_42 : vector<1x128xi1>
    %add3A_50 = vector.broadcast %select_n3A : i32 to vector<1x128xi32>
    %add3A_51 = arith.addi %rem3A_40, %add3A_50 : vector<1x128xi32>
    %select_n3A_52 = arith.select %and3A, %add3A_51, %rem3A_40 : vector<1x128xi1>, vector<1x128xi32>
    %ge3A = arith.constant 3 : i32
    %ge3A_53 = vector.broadcast %ge3A : i32 to vector<1x128xi32>
    %ge3A_54 = arith.cmpi sge, %select_n3A_52, %ge3A_53 : vector<1x128xi32>
    %lt3A_55 = arith.constant 11 : i32
    %lt3A_56 = vector.broadcast %lt3A_55 : i32 to vector<1x128xi32>
    %lt3A_57 = arith.cmpi slt, %select_n3A_52, %lt3A_56 : vector<1x128xi32>
    %and3A_58 = arith.andi %ge3A_54, %lt3A_57 : vector<1x128xi1>
    %jit3A_59 = arith.constant 0.000000e+00 : f32
    %broadcast_in_dim3A_60 = vector.shape_cast %and3A_58 : vector<1x128xi1> to vector<1x128xi1>
    %broadcast_in_dim3A_61 = vector.broadcast %broadcast_in_dim3A_60 : vector<1x128xi1> to vector<640x128xi1>
    %broadcast_in_dim3A_62 = vector.broadcast %jit3A_59 : f32 to vector<640x128xf32>
    %select_n3A_63 = arith.select %broadcast_in_dim3A_61, %get3A_1, %broadcast_in_dim3A_62 : vector<640x128xi1>, vector<640x128xf32>
    %add3A_64 = arith.addf %select_n3A_63, %max3A_37 : vector<640x128xf32>
    %get3A_65 = arith.constant 0 : index
    %get3A_66 = arith.constant 0 : index
    %get3A_67 = vector.load %arg8[%get3A_65, %get3A_66] : memref<128x128xf32, #tpu.memory_space<vmem>>, vector<128x128xf32>
    %dot_general3A_68 = arith.constant dense<0.000000e+00> : vector<640x128xf32>
    %dot_general3A_69 = tpu.matmul %add3A_64, %get3A_67, %dot_general3A_68 {dimension_numbers = #tpu.dot_dimension_numbers<[1], [0], [0], [1], [0, 0, 1, 1], [], []>, precision = #tpu.contract_precision<fp32>, transpose_lhs_hint = false} : vector<640x128xf32>, vector<128x128xf32>, vector<640x128xf32> -> vector<640x128xf32>
    %exp3A = math.exp %dot_general3A_69 : vector<640x128xf32>
    %slice3A = vector.extract_strided_slice %exp3A {offsets = [0, 112], sizes = [640, 16], strides = [1, 1]} : vector<640x128xf32> to vector<640x16xf32>
    %slice3A_70 = vector.extract_strided_slice %exp3A {offsets = [0, 0], sizes = [640, 112], strides = [1, 1]} : vector<640x128xf32> to vector<640x112xf32>
    %concatenate3A = tpu.concatenate %slice3A, %slice3A_70 in 1 : vector<640x16xf32>, vector<640x112xf32> -> vector<640x128xf32>
    %add3A_71 = arith.addf %exp3A, %concatenate3A : vector<640x128xf32>
    %slice3A_72 = vector.extract_strided_slice %add3A_71 {offsets = [0, 96], sizes = [640, 32], strides = [1, 1]} : vector<640x128xf32> to vector<640x32xf32>
    %slice3A_73 = vector.extract_strided_slice %add3A_71 {offsets = [0, 0], sizes = [640, 96], strides = [1, 1]} : vector<640x128xf32> to vector<640x96xf32>
    %concatenate3A_74 = tpu.concatenate %slice3A_72, %slice3A_73 in 1 : vector<640x32xf32>, vector<640x96xf32> -> vector<640x128xf32>
    %add3A_75 = arith.addf %add3A_71, %concatenate3A_74 : vector<640x128xf32>
    %slice3A_76 = vector.extract_strided_slice %add3A_75 {offsets = [0, 64], sizes = [640, 64], strides = [1, 1]} : vector<640x128xf32> to vector<640x64xf32>
    %slice3A_77 = vector.extract_strided_slice %add3A_75 {offsets = [0, 0], sizes = [640, 64], strides = [1, 1]} : vector<640x128xf32> to vector<640x64xf32>
    %concatenate3A_78 = tpu.concatenate %slice3A_76, %slice3A_77 in 1 : vector<640x64xf32>, vector<640x64xf32> -> vector<640x128xf32>
    %add3A_79 = arith.addf %add3A_75, %concatenate3A_78 : vector<640x128xf32>
    %reshape3A_80 = vector.shape_cast %add3A_79 : vector<640x128xf32> to vector<320x2x128xf32>
    %slice3A_81 = vector.extract_strided_slice %reshape3A_80 {offsets = [0, 0, 0], sizes = [320, 1, 128], strides = [1, 1, 1]} : vector<320x2x128xf32> to vector<320x1x128xf32>
    %squeeze3A = vector.shape_cast %slice3A_81 : vector<320x1x128xf32> to vector<320x128xf32>
    %slice3A_82 = vector.extract_strided_slice %reshape3A_80 {offsets = [0, 1, 0], sizes = [320, 1, 128], strides = [1, 1, 1]} : vector<320x2x128xf32> to vector<320x1x128xf32>
    %squeeze3A_83 = vector.shape_cast %slice3A_82 : vector<320x1x128xf32> to vector<320x128xf32>
    %add3A_84 = arith.addf %squeeze3A, %squeeze3A_83 : vector<320x128xf32>
    %mul3A_85 = arith.mulf %add3A_64, %exp3A : vector<640x128xf32>
    %slice3A_86 = vector.extract_strided_slice %mul3A_85 {offsets = [0, 112], sizes = [640, 16], strides = [1, 1]} : vector<640x128xf32> to vector<640x16xf32>
    %slice3A_87 = vector.extract_strided_slice %mul3A_85 {offsets = [0, 0], sizes = [640, 112], strides = [1, 1]} : vector<640x128xf32> to vector<640x112xf32>
    %concatenate3A_88 = tpu.concatenate %slice3A_86, %slice3A_87 in 1 : vector<640x16xf32>, vector<640x112xf32> -> vector<640x128xf32>
    %add3A_89 = arith.addf %mul3A_85, %concatenate3A_88 : vector<640x128xf32>
    %slice3A_90 = vector.extract_strided_slice %add3A_89 {offsets = [0, 96], sizes = [640, 32], strides = [1, 1]} : vector<640x128xf32> to vector<640x32xf32>
    %slice3A_91 = vector.extract_strided_slice %add3A_89 {offsets = [0, 0], sizes = [640, 96], strides = [1, 1]} : vector<640x128xf32> to vector<640x96xf32>
    %concatenate3A_92 = tpu.concatenate %slice3A_90, %slice3A_91 in 1 : vector<640x32xf32>, vector<640x96xf32> -> vector<640x128xf32>
    %add3A_93 = arith.addf %add3A_89, %concatenate3A_92 : vector<640x128xf32>
    %slice3A_94 = vector.extract_strided_slice %add3A_93 {offsets = [0, 64], sizes = [640, 64], strides = [1, 1]} : vector<640x128xf32> to vector<640x64xf32>
    %slice3A_95 = vector.extract_strided_slice %add3A_93 {offsets = [0, 0], sizes = [640, 64], strides = [1, 1]} : vector<640x128xf32> to vector<640x64xf32>
    %concatenate3A_96 = tpu.concatenate %slice3A_94, %slice3A_95 in 1 : vector<640x64xf32>, vector<640x64xf32> -> vector<640x128xf32>
    %add3A_97 = arith.addf %add3A_93, %concatenate3A_96 : vector<640x128xf32>
    %reshape3A_98 = vector.shape_cast %add3A_97 : vector<640x128xf32> to vector<320x2x128xf32>
    %slice3A_99 = vector.extract_strided_slice %reshape3A_98 {offsets = [0, 0, 0], sizes = [320, 1, 128], strides = [1, 1, 1]} : vector<320x2x128xf32> to vector<320x1x128xf32>
    %squeeze3A_100 = vector.shape_cast %slice3A_99 : vector<320x1x128xf32> to vector<320x128xf32>
    %slice3A_101 = vector.extract_strided_slice %reshape3A_98 {offsets = [0, 1, 0], sizes = [320, 1, 128], strides = [1, 1, 1]} : vector<320x2x128xf32> to vector<320x1x128xf32>
    %squeeze3A_102 = vector.shape_cast %slice3A_101 : vector<320x1x128xf32> to vector<320x128xf32>
    %add3A_103 = arith.addf %squeeze3A_100, %squeeze3A_102 : vector<320x128xf32>
    %div3A = arith.divf %add3A_103, %add3A_84 : vector<320x128xf32>
    %swap3A = arith.constant 0 : index
    %swap3A_104 = arith.constant 0 : index
    %swap3A_105 = vector.load %arg10[%swap3A, %swap3A_104] : memref<320x128xf32, #tpu.memory_space<vmem>>, vector<320x128xf32>
    tpu.vector_store %arg10[%swap3A, %swap3A_104], %div3A {strides = array<i32>} : memref<320x128xf32, #tpu.memory_space<vmem>>, vector<320x128xf32>,
    %swap3A_106 = arith.constant 0 : index
    %swap3A_107 = arith.constant 0 : index
    %swap3A_108 = vector.load %arg11[%swap3A_106, %swap3A_107] : memref<640x128xf32, #tpu.memory_space<vmem>>, vector<640x128xf32>
    tpu.vector_store %arg11[%swap3A_106, %swap3A_107], %max3A_37 {strides = array<i32>} : memref<640x128xf32, #tpu.memory_space<vmem>>, vector<640x128xf32>,
    %dot_general3A_109 = arith.constant dense<0.000000e+00> : vector<128x128xf32>
    %dot_general3A_110 = tpu.matmul %div3A, %div3A, %dot_general3A_109 {dimension_numbers = #tpu.dot_dimension_numbers<[0], [0], [1], [1], [0, 1, 1, 1], [], []>, transpose_lhs_hint = false} : vector<320x128xf32>, vector<320x128xf32>, vector<128x128xf32> -> vector<128x128xf32>
    %slice3A_111 = vector.extract_strided_slice %dot_general3A_110 {offsets = [0, 0], sizes = [16, 16], strides = [1, 1]} : vector<128x128xf32> to vector<16x16xf32>
    %reduce_sum3A = arith.constant dense<0.000000e+00> : vector<128xf32>
    %reduce_sum3A_112 = vector.multi_reduction <add>, %div3A, %reduce_sum3A [0] : vector<320x128xf32> to vector<128xf32>
    %broadcast_in_dim3A_113 = vector.shape_cast %reduce_sum3A_112 : vector<128xf32> to vector<1x128xf32>
    %slice3A_114 = vector.extract_strided_slice %broadcast_in_dim3A_113 {offsets = [0, 0], sizes = [1, 16], strides = [1, 1]} : vector<1x128xf32> to vector<1x16xf32>
    %dot_general3A_115 = arith.constant dense<0.000000e+00> : vector<128x128xf32>
    %dot_general3A_116 = tpu.matmul %max3A_37, %max3A_37, %dot_general3A_115 {dimension_numbers = #tpu.dot_dimension_numbers<[0], [0], [1], [1], [0, 1, 1, 1], [], []>, transpose_lhs_hint = false} : vector<640x128xf32>, vector<640x128xf32>, vector<128x128xf32> -> vector<128x128xf32>
    %broadcast_in_dim3A_117 = arith.constant 0.000000e+00 : f32
    %broadcast_in_dim3A_118 = vector.broadcast %broadcast_in_dim3A_117 : f32 to vector<16x16xf32>
    %slice3A_119 = vector.extract_strided_slice %dot_general3A_116 {offsets = [0, 0], sizes = [16, 16], strides = [1, 1]} : vector<128x128xf32> to vector<16x16xf32>
    %add3A_120 = arith.addf %broadcast_in_dim3A_118, %slice3A_119 : vector<16x16xf32>
    %slice3A_121 = vector.extract_strided_slice %dot_general3A_116 {offsets = [16, 16], sizes = [16, 16], strides = [1, 1]} : vector<128x128xf32> to vector<16x16xf32>
    %add3A_122 = arith.addf %add3A_120, %slice3A_121 : vector<16x16xf32>
    %slice3A_123 = vector.extract_strided_slice %dot_general3A_116 {offsets = [32, 32], sizes = [16, 16], strides = [1, 1]} : vector<128x128xf32> to vector<16x16xf32>
    %add3A_124 = arith.addf %add3A_122, %slice3A_123 : vector<16x16xf32>
    %slice3A_125 = vector.extract_strided_slice %dot_general3A_116 {offsets = [48, 48], sizes = [16, 16], strides = [1, 1]} : vector<128x128xf32> to vector<16x16xf32>
    %add3A_126 = arith.addf %add3A_124, %slice3A_125 : vector<16x16xf32>
    %slice3A_127 = vector.extract_strided_slice %dot_general3A_116 {offsets = [64, 64], sizes = [16, 16], strides = [1, 1]} : vector<128x128xf32> to vector<16x16xf32>
    %add3A_128 = arith.addf %add3A_126, %slice3A_127 : vector<16x16xf32>
    %slice3A_129 = vector.extract_strided_slice %dot_general3A_116 {offsets = [80, 80], sizes = [16, 16], strides = [1, 1]} : vector<128x128xf32> to vector<16x16xf32>
    %add3A_130 = arith.addf %add3A_128, %slice3A_129 : vector<16x16xf32>
    %slice3A_131 = vector.extract_strided_slice %dot_general3A_116 {offsets = [96, 96], sizes = [16, 16], strides = [1, 1]} : vector<128x128xf32> to vector<16x16xf32>
    %add3A_132 = arith.addf %add3A_130, %slice3A_131 : vector<16x16xf32>
    %slice3A_133 = vector.extract_strided_slice %dot_general3A_116 {offsets = [112, 112], sizes = [16, 16], strides = [1, 1]} : vector<128x128xf32> to vector<16x16xf32>
    %add3A_134 = arith.addf %add3A_132, %slice3A_133 : vector<16x16xf32>
    %reduce_sum3A_135 = arith.constant dense<0.000000e+00> : vector<128xf32>
    %reduce_sum3A_136 = vector.multi_reduction <add>, %max3A_37, %reduce_sum3A_135 [0] : vector<640x128xf32> to vector<128xf32>
    %broadcast_in_dim3A_137 = vector.shape_cast %reduce_sum3A_136 : vector<128xf32> to vector<1x128xf32>
    %broadcast_in_dim3A_138 = arith.constant 0.000000e+00 : f32
    %broadcast_in_dim3A_139 = vector.broadcast %broadcast_in_dim3A_138 : f32 to vector<1x16xf32>
    %slice3A_140 = vector.extract_strided_slice %broadcast_in_dim3A_137 {offsets = [0, 0], sizes = [1, 16], strides = [1, 1]} : vector<1x128xf32> to vector<1x16xf32>
    %add3A_141 = arith.addf %broadcast_in_dim3A_139, %slice3A_140 : vector<1x16xf32>
    %slice3A_142 = vector.extract_strided_slice %broadcast_in_dim3A_137 {offsets = [0, 16], sizes = [1, 16], strides = [1, 1]} : vector<1x128xf32> to vector<1x16xf32>
    %add3A_143 = arith.addf %add3A_141, %slice3A_142 : vector<1x16xf32>
    %slice3A_144 = vector.extract_strided_slice %broadcast_in_dim3A_137 {offsets = [0, 32], sizes = [1, 16], strides = [1, 1]} : vector<1x128xf32> to vector<1x16xf32>
    %add3A_145 = arith.addf %add3A_143, %slice3A_144 : vector<1x16xf32>
    %slice3A_146 = vector.extract_strided_slice %broadcast_in_dim3A_137 {offsets = [0, 48], sizes = [1, 16], strides = [1, 1]} : vector<1x128xf32> to vector<1x16xf32>
    %add3A_147 = arith.addf %add3A_145, %slice3A_146 : vector<1x16xf32>
    %slice3A_148 = vector.extract_strided_slice %broadcast_in_dim3A_137 {offsets = [0, 64], sizes = [1, 16], strides = [1, 1]} : vector<1x128xf32> to vector<1x16xf32>
    %add3A_149 = arith.addf %add3A_147, %slice3A_148 : vector<1x16xf32>
    %slice3A_150 = vector.extract_strided_slice %broadcast_in_dim3A_137 {offsets = [0, 80], sizes = [1, 16], strides = [1, 1]} : vector<1x128xf32> to vector<1x16xf32>
    %add3A_151 = arith.addf %add3A_149, %slice3A_150 : vector<1x16xf32>
    %slice3A_152 = vector.extract_strided_slice %broadcast_in_dim3A_137 {offsets = [0, 96], sizes = [1, 16], strides = [1, 1]} : vector<1x128xf32> to vector<1x16xf32>
    %add3A_153 = arith.addf %add3A_151, %slice3A_152 : vector<1x16xf32>
    %slice3A_154 = vector.extract_strided_slice %broadcast_in_dim3A_137 {offsets = [0, 112], sizes = [1, 16], strides = [1, 1]} : vector<1x128xf32> to vector<1x16xf32>
    %add3A_155 = arith.addf %add3A_153, %slice3A_154 : vector<1x16xf32>
    %broadcast_in_dim3A_156 = arith.constant 0.000000e+00 : f32
    %broadcast_in_dim3A_157 = vector.broadcast %broadcast_in_dim3A_156 : f32 to vector<7x16xf32>
    %broadcast_in_dim3A_158 = arith.constant 0.000000e+00 : f32
    %broadcast_in_dim3A_159 = vector.broadcast %broadcast_in_dim3A_158 : f32 to vector<7x16xf32>
    %concatenate3A_160 = tpu.concatenate %slice3A_111, %slice3A_114, %broadcast_in_dim3A_157, %add3A_134, %add3A_155, %broadcast_in_dim3A_159 in 0 : vector<16x16xf32>, vector<1x16xf32>, vector<7x16xf32>, vector<16x16xf32>, vector<1x16xf32>, vector<7x16xf32> -> vector<48x16xf32>
    %eq3A_161 = arith.constant 0 : i32
    %eq3A_162 = arith.cmpi eq, %arg0, %eq3A_161 : i32
    %convert_element_type3A = arith.extui %eq3A_162 : i1 to i32
    %cond3A = arith.constant 0 : i32
    %cond3A_163 = arith.cmpi ne, %convert_element_type3A, %cond3A : i32
    scf.if %cond3A_163 {
      %broadcast_in_dim3A_171 = arith.constant 0.000000e+00 : f32
      %broadcast_in_dim3A_172 = vector.broadcast %broadcast_in_dim3A_171 : f32 to vector<48x16xf32>
      %swap3A_173 = arith.constant 0 : index
      %swap3A_174 = arith.constant 0 : index
      %swap3A_175 = vector.load %arg12[%swap3A_173, %swap3A_174] : memref<48x16xf32, #tpu.memory_space<vmem>>, vector<48x16xf32>
      tpu.vector_store %arg12[%swap3A_173, %swap3A_174], %broadcast_in_dim3A_172 {strides = array<i32>} : memref<48x16xf32, #tpu.memory_space<vmem>>, vector<48x16xf32>,
    } else {
    }
    %get3A_164 = arith.constant 0 : index
    %get3A_165 = arith.constant 0 : index
    %get3A_166 = vector.load %arg12[%get3A_164, %get3A_165] : memref<48x16xf32, #tpu.memory_space<vmem>>, vector<48x16xf32>
    %add3A_167 = arith.addf %get3A_166, %concatenate3A_160 : vector<48x16xf32>
    %swap3A_168 = arith.constant 0 : index
    %swap3A_169 = arith.constant 0 : index
    %swap3A_170 = vector.load %arg12[%swap3A_168, %swap3A_169] : memref<48x16xf32, #tpu.memory_space<vmem>>, vector<48x16xf32>
    tpu.vector_store %arg12[%swap3A_168, %swap3A_169], %add3A_167 {strides = array<i32>} : memref<48x16xf32, #tpu.memory_space<vmem>>, vector<48x16xf32>,
    return
  }
  func.func @transform_0(%arg0: i32) -> (i32, i32) {
    %c0_i32 = arith.constant 0 : i32
    %c0_i32_0 = arith.constant 0 : i32
    return %arg0, %c0_i32 : i32, i32
  }
  func.func @transform_1(%arg0: i32) -> (i32, i32) {
    %c0_i32 = arith.constant 0 : i32
    %c0_i32_0 = arith.constant 0 : i32
    return %arg0, %c0_i32 : i32, i32
  }
  func.func @transform_2(%arg0: i32) -> (i32, i32) {
    %c0_i32 = arith.constant 0 : i32
    %c0_i32_0 = arith.constant 0 : i32
    %c0_i32_1 = arith.constant 0 : i32
    return %c0_i32, %c0_i32_0 : i32, i32
  }
  func.func @transform_3(%arg0: i32) -> (i32, i32) {
    %c0_i32 = arith.constant 0 : i32
    %c0_i32_0 = arith.constant 0 : i32
    %c0_i32_1 = arith.constant 0 : i32
    return %c0_i32, %c0_i32_0 : i32, i32
  }
  func.func @transform_4(%arg0: i32) -> (i32, i32) {
    %c0_i32 = arith.constant 0 : i32
    %c0_i32_0 = arith.constant 0 : i32
    %c0_i32_1 = arith.constant 0 : i32
    return %c0_i32, %c0_i32_0 : i32, i32
  }
  func.func @transform_5(%arg0: i32) -> (i32, i32) {
    %c0_i32 = arith.constant 0 : i32
    %c0_i32_0 = arith.constant 0 : i32
    %c0_i32_1 = arith.constant 0 : i32
    return %c0_i32, %c0_i32_0 : i32, i32
  }
  func.func @transform_6(%arg0: i32) -> (i32, i32) {
    %c0_i32 = arith.constant 0 : i32
    %c0_i32_0 = arith.constant 0 : i32
    %c0_i32_1 = arith.constant 0 : i32
    return %c0_i32, %c0_i32_0 : i32, i32
  }
  func.func @transform_7(%arg0: i32) -> (i32, i32) {
    %c0_i32 = arith.constant 0 : i32
    %c0_i32_0 = arith.constant 0 : i32
    %c0_i32_1 = arith.constant 0 : i32
    return %c0_i32, %c0_i32_0 : i32, i32
  }
  func.func @transform_8(%arg0: i32) -> (i32, i32) {
    %c0_i32 = arith.constant 0 : i32
    %c0_i32_0 = arith.constant 0 : i32
    %c0_i32_1 = arith.constant 0 : i32
    return %c0_i32, %c0_i32_0 : i32, i32
  }
  func.func @transform_9(%arg0: i32) -> (i32, i32) {
    %c0_i32 = arith.constant 0 : i32
    %c0_i32_0 = arith.constant 0 : i32
    return %arg0, %c0_i32 : i32, i32
  }
  func.func @transform_10(%arg0: i32) -> (i32, i32) {
    %c0_i32 = arith.constant 0 : i32
    %c0_i32_0 = arith.constant 0 : i32
    return %arg0, %c0_i32 : i32, i32
  }
  func.func @transform_11(%arg0: i32) -> (i32, i32) {
    %c0_i32 = arith.constant 0 : i32
    %c0_i32_0 = arith.constant 0 : i32
    %c0_i32_1 = arith.constant 0 : i32
    return %c0_i32, %c0_i32_0 : i32, i32
  }
}

module attributes {stable_mosaic.version = 14 : i64} {
  func.func @_stage3_kernel(%arg0: i32, %arg1: memref<640x128xf32, #tpu.memory_space<vmem>>, %arg2: memref<640x128xf32, #tpu.memory_space<vmem>>, %arg3: memref<128x128xf32, #tpu.memory_space<vmem>>, %arg4: memref<8x128xf32, #tpu.memory_space<vmem>>, %arg5: memref<128x128xf32, #tpu.memory_space<vmem>>, %arg6: memref<8x128xf32, #tpu.memory_space<vmem>>, %arg7: memref<128x128xf32, #tpu.memory_space<vmem>>, %arg8: memref<128x128xf32, #tpu.memory_space<vmem>>, %arg9: memref<320x128xf32, #tpu.memory_space<vmem>>, %arg10: memref<24x16xf32, #tpu.memory_space<vmem>>) attributes {dimension_semantics = [#tpu.dimension_semantics<arbitrary>], iteration_bounds = array<i64: 625>, scalar_prefetch = 0 : i64, scratch_operands = 0 : i64, tpu.core_type = #tpu.core_type<tc>, window_params = [{transform_indices = @transform_0, window_bounds = array<i64: 640, 128>}, {transform_indices = @transform_1, window_bounds = array<i64: 640, 128>}, {pipeline_mode = #tpu.pipeline_mode<synchronous>, transform_indices = @transform_2, window_bounds = array<i64: 128, 128>}, {pipeline_mode = #tpu.pipeline_mode<synchronous>, transform_indices = @transform_3, window_bounds = array<i64: 8, 128>}, {pipeline_mode = #tpu.pipeline_mode<synchronous>, transform_indices = @transform_4, window_bounds = array<i64: 128, 128>}, {pipeline_mode = #tpu.pipeline_mode<synchronous>, transform_indices = @transform_5, window_bounds = array<i64: 8, 128>}, {pipeline_mode = #tpu.pipeline_mode<synchronous>, transform_indices = @transform_6, window_bounds = array<i64: 128, 128>}, {pipeline_mode = #tpu.pipeline_mode<synchronous>, transform_indices = @transform_7, window_bounds = array<i64: 128, 128>}, {transform_indices = @transform_8, window_bounds = array<i64: 320, 128>}, {pipeline_mode = #tpu.pipeline_mode<synchronous>, transform_indices = @transform_9, window_bounds = array<i64: 24, 16>}]} {
    %get3A = arith.constant 0 : index
    %get3A_0 = arith.constant 0 : index
    %get3A_1 = vector.load %arg1[%get3A, %get3A_0] : memref<640x128xf32, #tpu.memory_space<vmem>>, vector<640x128xf32>
    %get3A_2 = arith.constant 0 : index
    %get3A_3 = arith.constant 0 : index
    %get3A_4 = vector.load %arg3[%get3A_2, %get3A_3] : memref<128x128xf32, #tpu.memory_space<vmem>>, vector<128x128xf32>
    %dot_general3A = arith.constant dense<0.000000e+00> : vector<640x128xf32>
    %dot_general3A_5 = tpu.matmul %get3A_1, %get3A_4, %dot_general3A {dimension_numbers = #tpu.dot_dimension_numbers<[1], [0], [0], [1], [0, 0, 1, 1], [], []>, precision = #tpu.contract_precision<fp32>, transpose_lhs_hint = false} : vector<640x128xf32>, vector<128x128xf32>, vector<640x128xf32> -> vector<640x128xf32>
    %get3A_6 = arith.constant 0 : index
    %get3A_7 = arith.constant 0 : index
    %get3A_8 = vector.load %arg4[%get3A_6, %get3A_7] : memref<8x128xf32, #tpu.memory_space<vmem>>, vector<1x128xf32>
    %add3A = vector.broadcast %get3A_8 : vector<1x128xf32> to vector<640x128xf32>
    %add3A_9 = arith.addf %dot_general3A_5, %add3A : vector<640x128xf32>
    %max3A = arith.constant 0.000000e+00 : f32
    %max3A_10 = vector.broadcast %max3A : f32 to vector<640x128xf32>
    %max3A_11 = arith.maximumf %add3A_9, %max3A_10 : vector<640x128xf32>
    %get3A_12 = arith.constant 0 : index
    %get3A_13 = arith.constant 0 : index
    %get3A_14 = vector.load %arg2[%get3A_12, %get3A_13] : memref<640x128xf32, #tpu.memory_space<vmem>>, vector<640x128xf32>
    %get3A_15 = arith.constant 0 : index
    %get3A_16 = arith.constant 0 : index
    %get3A_17 = vector.load %arg5[%get3A_15, %get3A_16] : memref<128x128xf32, #tpu.memory_space<vmem>>, vector<128x128xf32>
    %dot_general3A_18 = arith.constant dense<0.000000e+00> : vector<640x128xf32>
    %dot_general3A_19 = tpu.matmul %get3A_14, %get3A_17, %dot_general3A_18 {dimension_numbers = #tpu.dot_dimension_numbers<[1], [0], [0], [1], [0, 0, 1, 1], [], []>, precision = #tpu.contract_precision<fp32>, transpose_lhs_hint = false} : vector<640x128xf32>, vector<128x128xf32>, vector<640x128xf32> -> vector<640x128xf32>
    %get3A_20 = arith.constant 0 : index
    %get3A_21 = arith.constant 0 : index
    %get3A_22 = vector.load %arg6[%get3A_20, %get3A_21] : memref<8x128xf32, #tpu.memory_space<vmem>>, vector<1x128xf32>
    %add3A_23 = vector.broadcast %get3A_22 : vector<1x128xf32> to vector<640x128xf32>
    %add3A_24 = arith.addf %dot_general3A_19, %add3A_23 : vector<640x128xf32>
    %max3A_25 = arith.constant 0.000000e+00 : f32
    %max3A_26 = vector.broadcast %max3A_25 : f32 to vector<640x128xf32>
    %max3A_27 = arith.maximumf %add3A_24, %max3A_26 : vector<640x128xf32>
    %add3A_28 = arith.addf %max3A_11, %max3A_27 : vector<640x128xf32>
    %get3A_29 = arith.constant 0 : index
    %get3A_30 = arith.constant 0 : index
    %get3A_31 = vector.load %arg7[%get3A_29, %get3A_30] : memref<128x128xf32, #tpu.memory_space<vmem>>, vector<128x128xf32>
    %dot_general3A_32 = arith.constant dense<0.000000e+00> : vector<640x128xf32>
    %dot_general3A_33 = tpu.matmul %add3A_28, %get3A_31, %dot_general3A_32 {dimension_numbers = #tpu.dot_dimension_numbers<[1], [0], [0], [1], [0, 0, 1, 1], [], []>, precision = #tpu.contract_precision<fp32>, transpose_lhs_hint = false} : vector<640x128xf32>, vector<128x128xf32>, vector<640x128xf32> -> vector<640x128xf32>
    %exp3A = math.exp %dot_general3A_33 : vector<640x128xf32>
    %slice3A = vector.extract_strided_slice %exp3A {offsets = [0, 112], sizes = [640, 16], strides = [1, 1]} : vector<640x128xf32> to vector<640x16xf32>
    %slice3A_34 = vector.extract_strided_slice %exp3A {offsets = [0, 0], sizes = [640, 112], strides = [1, 1]} : vector<640x128xf32> to vector<640x112xf32>
    %concatenate3A = tpu.concatenate %slice3A, %slice3A_34 in 1 : vector<640x16xf32>, vector<640x112xf32> -> vector<640x128xf32>
    %add3A_35 = arith.addf %exp3A, %concatenate3A : vector<640x128xf32>
    %slice3A_36 = vector.extract_strided_slice %add3A_35 {offsets = [0, 96], sizes = [640, 32], strides = [1, 1]} : vector<640x128xf32> to vector<640x32xf32>
    %slice3A_37 = vector.extract_strided_slice %add3A_35 {offsets = [0, 0], sizes = [640, 96], strides = [1, 1]} : vector<640x128xf32> to vector<640x96xf32>
    %concatenate3A_38 = tpu.concatenate %slice3A_36, %slice3A_37 in 1 : vector<640x32xf32>, vector<640x96xf32> -> vector<640x128xf32>
    %add3A_39 = arith.addf %add3A_35, %concatenate3A_38 : vector<640x128xf32>
    %slice3A_40 = vector.extract_strided_slice %add3A_39 {offsets = [0, 64], sizes = [640, 64], strides = [1, 1]} : vector<640x128xf32> to vector<640x64xf32>
    %slice3A_41 = vector.extract_strided_slice %add3A_39 {offsets = [0, 0], sizes = [640, 64], strides = [1, 1]} : vector<640x128xf32> to vector<640x64xf32>
    %concatenate3A_42 = tpu.concatenate %slice3A_40, %slice3A_41 in 1 : vector<640x64xf32>, vector<640x64xf32> -> vector<640x128xf32>
    %add3A_43 = arith.addf %add3A_39, %concatenate3A_42 : vector<640x128xf32>
    %reshape3A = vector.shape_cast %add3A_43 : vector<640x128xf32> to vector<320x2x128xf32>
    %slice3A_44 = vector.extract_strided_slice %reshape3A {offsets = [0, 0, 0], sizes = [320, 1, 128], strides = [1, 1, 1]} : vector<320x2x128xf32> to vector<320x1x128xf32>
    %squeeze3A = vector.shape_cast %slice3A_44 : vector<320x1x128xf32> to vector<320x128xf32>
    %slice3A_45 = vector.extract_strided_slice %reshape3A {offsets = [0, 1, 0], sizes = [320, 1, 128], strides = [1, 1, 1]} : vector<320x2x128xf32> to vector<320x1x128xf32>
    %squeeze3A_46 = vector.shape_cast %slice3A_45 : vector<320x1x128xf32> to vector<320x128xf32>
    %add3A_47 = arith.addf %squeeze3A, %squeeze3A_46 : vector<320x128xf32>
    %mul3A = arith.mulf %add3A_28, %exp3A : vector<640x128xf32>
    %slice3A_48 = vector.extract_strided_slice %mul3A {offsets = [0, 112], sizes = [640, 16], strides = [1, 1]} : vector<640x128xf32> to vector<640x16xf32>
    %slice3A_49 = vector.extract_strided_slice %mul3A {offsets = [0, 0], sizes = [640, 112], strides = [1, 1]} : vector<640x128xf32> to vector<640x112xf32>
    %concatenate3A_50 = tpu.concatenate %slice3A_48, %slice3A_49 in 1 : vector<640x16xf32>, vector<640x112xf32> -> vector<640x128xf32>
    %add3A_51 = arith.addf %mul3A, %concatenate3A_50 : vector<640x128xf32>
    %slice3A_52 = vector.extract_strided_slice %add3A_51 {offsets = [0, 96], sizes = [640, 32], strides = [1, 1]} : vector<640x128xf32> to vector<640x32xf32>
    %slice3A_53 = vector.extract_strided_slice %add3A_51 {offsets = [0, 0], sizes = [640, 96], strides = [1, 1]} : vector<640x128xf32> to vector<640x96xf32>
    %concatenate3A_54 = tpu.concatenate %slice3A_52, %slice3A_53 in 1 : vector<640x32xf32>, vector<640x96xf32> -> vector<640x128xf32>
    %add3A_55 = arith.addf %add3A_51, %concatenate3A_54 : vector<640x128xf32>
    %slice3A_56 = vector.extract_strided_slice %add3A_55 {offsets = [0, 64], sizes = [640, 64], strides = [1, 1]} : vector<640x128xf32> to vector<640x64xf32>
    %slice3A_57 = vector.extract_strided_slice %add3A_55 {offsets = [0, 0], sizes = [640, 64], strides = [1, 1]} : vector<640x128xf32> to vector<640x64xf32>
    %concatenate3A_58 = tpu.concatenate %slice3A_56, %slice3A_57 in 1 : vector<640x64xf32>, vector<640x64xf32> -> vector<640x128xf32>
    %add3A_59 = arith.addf %add3A_55, %concatenate3A_58 : vector<640x128xf32>
    %reshape3A_60 = vector.shape_cast %add3A_59 : vector<640x128xf32> to vector<320x2x128xf32>
    %slice3A_61 = vector.extract_strided_slice %reshape3A_60 {offsets = [0, 0, 0], sizes = [320, 1, 128], strides = [1, 1, 1]} : vector<320x2x128xf32> to vector<320x1x128xf32>
    %squeeze3A_62 = vector.shape_cast %slice3A_61 : vector<320x1x128xf32> to vector<320x128xf32>
    %slice3A_63 = vector.extract_strided_slice %reshape3A_60 {offsets = [0, 1, 0], sizes = [320, 1, 128], strides = [1, 1, 1]} : vector<320x2x128xf32> to vector<320x1x128xf32>
    %squeeze3A_64 = vector.shape_cast %slice3A_63 : vector<320x1x128xf32> to vector<320x128xf32>
    %add3A_65 = arith.addf %squeeze3A_62, %squeeze3A_64 : vector<320x128xf32>
    %div3A = arith.divf %add3A_65, %add3A_47 : vector<320x128xf32>
    %swap3A = arith.constant 0 : index
    %swap3A_66 = arith.constant 0 : index
    %swap3A_67 = vector.load %arg9[%swap3A, %swap3A_66] : memref<320x128xf32, #tpu.memory_space<vmem>>, vector<320x128xf32>
    tpu.vector_store %arg9[%swap3A, %swap3A_66], %div3A {strides = array<i32>} : memref<320x128xf32, #tpu.memory_space<vmem>>, vector<320x128xf32>,
    %dot_general3A_68 = arith.constant dense<0.000000e+00> : vector<128x128xf32>
    %dot_general3A_69 = tpu.matmul %div3A, %div3A, %dot_general3A_68 {dimension_numbers = #tpu.dot_dimension_numbers<[0], [0], [1], [1], [0, 1, 1, 1], [], []>, transpose_lhs_hint = false} : vector<320x128xf32>, vector<320x128xf32>, vector<128x128xf32> -> vector<128x128xf32>
    %slice3A_70 = vector.extract_strided_slice %dot_general3A_69 {offsets = [0, 0], sizes = [16, 16], strides = [1, 1]} : vector<128x128xf32> to vector<16x16xf32>
    %reduce_sum3A = arith.constant dense<0.000000e+00> : vector<128xf32>
    %reduce_sum3A_71 = vector.multi_reduction <add>, %div3A, %reduce_sum3A [0] : vector<320x128xf32> to vector<128xf32>
    %broadcast_in_dim3A = vector.shape_cast %reduce_sum3A_71 : vector<128xf32> to vector<1x128xf32>
    %slice3A_72 = vector.extract_strided_slice %broadcast_in_dim3A {offsets = [0, 0], sizes = [1, 16], strides = [1, 1]} : vector<1x128xf32> to vector<1x16xf32>
    %broadcast_in_dim3A_73 = arith.constant 0.000000e+00 : f32
    %broadcast_in_dim3A_74 = vector.broadcast %broadcast_in_dim3A_73 : f32 to vector<7x16xf32>
    %concatenate3A_75 = tpu.concatenate %slice3A_70, %slice3A_72, %broadcast_in_dim3A_74 in 0 : vector<16x16xf32>, vector<1x16xf32>, vector<7x16xf32> -> vector<24x16xf32>
    %eq3A = arith.constant 0 : i32
    %eq3A_76 = arith.cmpi eq, %arg0, %eq3A : i32
    %convert_element_type3A = arith.extui %eq3A_76 : i1 to i32
    %cond3A = arith.constant 0 : i32
    %cond3A_77 = arith.cmpi ne, %convert_element_type3A, %cond3A : i32
    scf.if %cond3A_77 {
      %broadcast_in_dim3A_85 = arith.constant 0.000000e+00 : f32
      %broadcast_in_dim3A_86 = vector.broadcast %broadcast_in_dim3A_85 : f32 to vector<24x16xf32>
      %swap3A_87 = arith.constant 0 : index
      %swap3A_88 = arith.constant 0 : index
      %swap3A_89 = vector.load %arg10[%swap3A_87, %swap3A_88] : memref<24x16xf32, #tpu.memory_space<vmem>>, vector<24x16xf32>
      tpu.vector_store %arg10[%swap3A_87, %swap3A_88], %broadcast_in_dim3A_86 {strides = array<i32>} : memref<24x16xf32, #tpu.memory_space<vmem>>, vector<24x16xf32>,
    } else {
    }
    %get3A_78 = arith.constant 0 : index
    %get3A_79 = arith.constant 0 : index
    %get3A_80 = vector.load %arg10[%get3A_78, %get3A_79] : memref<24x16xf32, #tpu.memory_space<vmem>>, vector<24x16xf32>
    %add3A_81 = arith.addf %get3A_80, %concatenate3A_75 : vector<24x16xf32>
    %swap3A_82 = arith.constant 0 : index
    %swap3A_83 = arith.constant 0 : index
    %swap3A_84 = vector.load %arg10[%swap3A_82, %swap3A_83] : memref<24x16xf32, #tpu.memory_space<vmem>>, vector<24x16xf32>
    tpu.vector_store %arg10[%swap3A_82, %swap3A_83], %add3A_81 {strides = array<i32>} : memref<24x16xf32, #tpu.memory_space<vmem>>, vector<24x16xf32>,
    return
  }
  func.func @transform_0(%arg0: i32) -> (i32, i32) {
    %c0_i32 = arith.constant 0 : i32
    %c0_i32_0 = arith.constant 0 : i32
    return %arg0, %c0_i32 : i32, i32
  }
  func.func @transform_1(%arg0: i32) -> (i32, i32) {
    %c0_i32 = arith.constant 0 : i32
    %c0_i32_0 = arith.constant 0 : i32
    return %arg0, %c0_i32 : i32, i32
  }
  func.func @transform_2(%arg0: i32) -> (i32, i32) {
    %c0_i32 = arith.constant 0 : i32
    %c0_i32_0 = arith.constant 0 : i32
    %c0_i32_1 = arith.constant 0 : i32
    return %c0_i32, %c0_i32_0 : i32, i32
  }
  func.func @transform_3(%arg0: i32) -> (i32, i32) {
    %c0_i32 = arith.constant 0 : i32
    %c0_i32_0 = arith.constant 0 : i32
    %c0_i32_1 = arith.constant 0 : i32
    return %c0_i32, %c0_i32_0 : i32, i32
  }
  func.func @transform_4(%arg0: i32) -> (i32, i32) {
    %c0_i32 = arith.constant 0 : i32
    %c0_i32_0 = arith.constant 0 : i32
    %c0_i32_1 = arith.constant 0 : i32
    return %c0_i32, %c0_i32_0 : i32, i32
  }
  func.func @transform_5(%arg0: i32) -> (i32, i32) {
    %c0_i32 = arith.constant 0 : i32
    %c0_i32_0 = arith.constant 0 : i32
    %c0_i32_1 = arith.constant 0 : i32
    return %c0_i32, %c0_i32_0 : i32, i32
  }
  func.func @transform_6(%arg0: i32) -> (i32, i32) {
    %c0_i32 = arith.constant 0 : i32
    %c0_i32_0 = arith.constant 0 : i32
    %c0_i32_1 = arith.constant 0 : i32
    return %c0_i32, %c0_i32_0 : i32, i32
  }
  func.func @transform_7(%arg0: i32) -> (i32, i32) {
    %c0_i32 = arith.constant 0 : i32
    %c0_i32_0 = arith.constant 0 : i32
    %c0_i32_1 = arith.constant 0 : i32
    return %c0_i32, %c0_i32_0 : i32, i32
  }
  func.func @transform_8(%arg0: i32) -> (i32, i32) {
    %c0_i32 = arith.constant 0 : i32
    %c0_i32_0 = arith.constant 0 : i32
    return %arg0, %c0_i32 : i32, i32
  }
  func.func @transform_9(%arg0: i32) -> (i32, i32) {
    %c0_i32 = arith.constant 0 : i32
    %c0_i32_0 = arith.constant 0 : i32
    %c0_i32_1 = arith.constant 0 : i32
    return %c0_i32, %c0_i32_0 : i32, i32
  }
}

module attributes {stable_mosaic.version = 14 : i64} {
  func.func @_fpc2_kernel(%arg0: i32, %arg1: memref<1600x128xf32, #tpu.memory_space<vmem>>, %arg2: memref<24x16xf32, #tpu.memory_space<vmem>>, %arg3: memref<1600x16xf32, #tpu.memory_space<vmem>>, %arg4: memref<32x32xf32, #tpu.memory_space<vmem>>) attributes {dimension_semantics = [#tpu.dimension_semantics<arbitrary>], iteration_bounds = array<i64: 125>, scalar_prefetch = 0 : i64, scratch_operands = 0 : i64, tpu.core_type = #tpu.core_type<tc>, window_params = [{transform_indices = @transform_0, window_bounds = array<i64: 1600, 128>}, {pipeline_mode = #tpu.pipeline_mode<synchronous>, transform_indices = @transform_1, window_bounds = array<i64: 24, 16>}, {transform_indices = @transform_2, window_bounds = array<i64: 1600, 16>}, {pipeline_mode = #tpu.pipeline_mode<synchronous>, transform_indices = @transform_3, window_bounds = array<i64: 32, 32>}]} {
    %get3A = arith.constant 0 : index
    %get3A_0 = arith.constant 0 : index
    %get3A_1 = vector.load %arg1[%get3A, %get3A_0] : memref<1600x128xf32, #tpu.memory_space<vmem>>, vector<1600x128xf32>
    %slice3A = vector.extract_strided_slice %get3A_1 {offsets = [0, 0], sizes = [1600, 16], strides = [1, 1]} : vector<1600x128xf32> to vector<1600x16xf32>
    %get3A_2 = arith.constant 0 : index
    %get3A_3 = arith.constant 0 : index
    %get3A_4 = vector.load %arg2[%get3A_2, %get3A_3] : memref<24x16xf32, #tpu.memory_space<vmem>>, vector<24x16xf32>
    %slice3A_5 = vector.extract_strided_slice %get3A_4 {offsets = [0, 0], sizes = [16, 16], strides = [1, 1]} : vector<24x16xf32> to vector<16x16xf32>
    %dot_general3A = arith.constant dense<0.000000e+00> : vector<1600x16xf32>
    %dot_general3A_6 = tpu.matmul %slice3A, %slice3A_5, %dot_general3A {dimension_numbers = #tpu.dot_dimension_numbers<[1], [0], [0], [1], [0, 0, 1, 1], [], []>, precision = #tpu.contract_precision<fp32>, transpose_lhs_hint = false} : vector<1600x16xf32>, vector<16x16xf32>, vector<1600x16xf32> -> vector<1600x16xf32>
    %slice3A_7 = vector.extract_strided_slice %get3A_4 {offsets = [16, 0], sizes = [1, 16], strides = [1, 1]} : vector<24x16xf32> to vector<1x16xf32>
    %add3A = vector.broadcast %slice3A_7 : vector<1x16xf32> to vector<1600x16xf32>
    %add3A_8 = arith.addf %dot_general3A_6, %add3A : vector<1600x16xf32>
    %max3A = arith.constant 0.000000e+00 : f32
    %max3A_9 = vector.broadcast %max3A : f32 to vector<1600x16xf32>
    %max3A_10 = arith.maximumf %add3A_8, %max3A_9 : vector<1600x16xf32>
    %swap3A = arith.constant 0 : index
    %swap3A_11 = arith.constant 0 : index
    %swap3A_12 = vector.load %arg3[%swap3A, %swap3A_11] : memref<1600x16xf32, #tpu.memory_space<vmem>>, vector<1600x16xf32>
    tpu.vector_store %arg3[%swap3A, %swap3A_11], %max3A_10 {strides = array<i32>} : memref<1600x16xf32, #tpu.memory_space<vmem>>, vector<1600x16xf32>,
    %broadcast_in_dim3A = arith.constant 1.000000e+00 : f32
    %broadcast_in_dim3A_13 = vector.broadcast %broadcast_in_dim3A : f32 to vector<1600x1xf32>
    %broadcast_in_dim3A_14 = arith.constant 0.000000e+00 : f32
    %broadcast_in_dim3A_15 = vector.broadcast %broadcast_in_dim3A_14 : f32 to vector<1600x15xf32>
    %concatenate3A = tpu.concatenate %max3A_10, %broadcast_in_dim3A_13, %broadcast_in_dim3A_15 in 1 : vector<1600x16xf32>, vector<1600x1xf32>, vector<1600x15xf32> -> vector<1600x32xf32>
    %dot_general3A_16 = arith.constant dense<0.000000e+00> : vector<32x32xf32>
    %dot_general3A_17 = tpu.matmul %concatenate3A, %concatenate3A, %dot_general3A_16 {dimension_numbers = #tpu.dot_dimension_numbers<[0], [0], [1], [1], [0, 1, 1, 1], [], []>, transpose_lhs_hint = false} : vector<1600x32xf32>, vector<1600x32xf32>, vector<32x32xf32> -> vector<32x32xf32>
    %eq3A = arith.constant 0 : i32
    %eq3A_18 = arith.cmpi eq, %arg0, %eq3A : i32
    %convert_element_type3A = arith.extui %eq3A_18 : i1 to i32
    %cond3A = arith.constant 0 : i32
    %cond3A_19 = arith.cmpi ne, %convert_element_type3A, %cond3A : i32
    scf.if %cond3A_19 {
      %broadcast_in_dim3A_27 = arith.constant 0.000000e+00 : f32
      %broadcast_in_dim3A_28 = vector.broadcast %broadcast_in_dim3A_27 : f32 to vector<32x32xf32>
      %swap3A_29 = arith.constant 0 : index
      %swap3A_30 = arith.constant 0 : index
      %swap3A_31 = vector.load %arg4[%swap3A_29, %swap3A_30] : memref<32x32xf32, #tpu.memory_space<vmem>>, vector<32x32xf32>
      tpu.vector_store %arg4[%swap3A_29, %swap3A_30], %broadcast_in_dim3A_28 {strides = array<i32>} : memref<32x32xf32, #tpu.memory_space<vmem>>, vector<32x32xf32>,
    } else {
    }
    %get3A_20 = arith.constant 0 : index
    %get3A_21 = arith.constant 0 : index
    %get3A_22 = vector.load %arg4[%get3A_20, %get3A_21] : memref<32x32xf32, #tpu.memory_space<vmem>>, vector<32x32xf32>
    %add3A_23 = arith.addf %get3A_22, %dot_general3A_17 : vector<32x32xf32>
    %swap3A_24 = arith.constant 0 : index
    %swap3A_25 = arith.constant 0 : index
    %swap3A_26 = vector.load %arg4[%swap3A_24, %swap3A_25] : memref<32x32xf32, #tpu.memory_space<vmem>>, vector<32x32xf32>
    tpu.vector_store %arg4[%swap3A_24, %swap3A_25], %add3A_23 {strides = array<i32>} : memref<32x32xf32, #tpu.memory_space<vmem>>, vector<32x32xf32>,
    return
  }
  func.func @transform_0(%arg0: i32) -> (i32, i32) {
    %c0_i32 = arith.constant 0 : i32
    %c0_i32_0 = arith.constant 0 : i32
    return %arg0, %c0_i32 : i32, i32
  }
  func.func @transform_1(%arg0: i32) -> (i32, i32) {
    %c0_i32 = arith.constant 0 : i32
    %c0_i32_0 = arith.constant 0 : i32
    %c0_i32_1 = arith.constant 0 : i32
    return %c0_i32, %c0_i32_0 : i32, i32
  }
  func.func @transform_2(%arg0: i32) -> (i32, i32) {
    %c0_i32 = arith.constant 0 : i32
    %c0_i32_0 = arith.constant 0 : i32
    return %arg0, %c0_i32 : i32, i32
  }
  func.func @transform_3(%arg0: i32) -> (i32, i32) {
    %c0_i32 = arith.constant 0 : i32
    %c0_i32_0 = arith.constant 0 : i32
    %c0_i32_1 = arith.constant 0 : i32
    return %c0_i32, %c0_i32_0 : i32, i32
  }
}

module attributes {stable_mosaic.version = 14 : i64} {
  func.func @_final_kernel(%arg0: i32, %arg1: memref<1600x16xf32, #tpu.memory_space<vmem>>, %arg2: memref<1600x8xf32, #tpu.memory_space<vmem>>, %arg3: memref<24x32xf32, #tpu.memory_space<vmem>>, %arg4: memref<16x32xf32, #tpu.memory_space<vmem>>, %arg5: memref<1600x32xf32, #tpu.memory_space<vmem>>) attributes {dimension_semantics = [#tpu.dimension_semantics<arbitrary>], iteration_bounds = array<i64: 125>, scalar_prefetch = 0 : i64, scratch_operands = 0 : i64, tpu.core_type = #tpu.core_type<tc>, window_params = [{transform_indices = @transform_0, window_bounds = array<i64: 1600, 16>}, {transform_indices = @transform_1, window_bounds = array<i64: 1600, 8>}, {pipeline_mode = #tpu.pipeline_mode<synchronous>, transform_indices = @transform_2, window_bounds = array<i64: 24, 32>}, {pipeline_mode = #tpu.pipeline_mode<synchronous>, transform_indices = @transform_3, window_bounds = array<i64: 16, 32>}, {transform_indices = @transform_4, window_bounds = array<i64: 1600, 32>}]} {
    %get3A = arith.constant 0 : index
    %get3A_0 = arith.constant 0 : index
    %get3A_1 = vector.load %arg3[%get3A, %get3A_0] : memref<24x32xf32, #tpu.memory_space<vmem>>, vector<24x32xf32>
    %get3A_2 = arith.constant 0 : index
    %get3A_3 = arith.constant 0 : index
    %get3A_4 = vector.load %arg4[%get3A_2, %get3A_3] : memref<16x32xf32, #tpu.memory_space<vmem>>, vector<16x32xf32>
    %get3A_5 = arith.constant 0 : index
    %get3A_6 = arith.constant 0 : index
    %get3A_7 = vector.load %arg1[%get3A_5, %get3A_6] : memref<1600x16xf32, #tpu.memory_space<vmem>>, vector<1600x16xf32>
    %slice3A = vector.extract_strided_slice %get3A_1 {offsets = [0, 0], sizes = [16, 32], strides = [1, 1]} : vector<24x32xf32> to vector<16x32xf32>
    %dot_general3A = arith.constant dense<0.000000e+00> : vector<1600x32xf32>
    %dot_general3A_8 = tpu.matmul %get3A_7, %slice3A, %dot_general3A {dimension_numbers = #tpu.dot_dimension_numbers<[1], [0], [0], [1], [0, 0, 1, 1], [], []>, precision = #tpu.contract_precision<fp32>, transpose_lhs_hint = false} : vector<1600x16xf32>, vector<16x32xf32>, vector<1600x32xf32> -> vector<1600x32xf32>
    %slice3A_9 = vector.extract_strided_slice %get3A_1 {offsets = [16, 0], sizes = [1, 32], strides = [1, 1]} : vector<24x32xf32> to vector<1x32xf32>
    %add3A = vector.broadcast %slice3A_9 : vector<1x32xf32> to vector<1600x32xf32>
    %add3A_10 = arith.addf %dot_general3A_8, %add3A : vector<1600x32xf32>
    %get3A_11 = arith.constant 0 : index
    %get3A_12 = arith.constant 0 : index
    %get3A_13 = vector.load %arg2[%get3A_11, %get3A_12] : memref<1600x8xf32, #tpu.memory_space<vmem>>, vector<1600x8xf32>
    %slice3A_14 = vector.extract_strided_slice %get3A_4 {offsets = [0, 0], sizes = [8, 32], strides = [1, 1]} : vector<16x32xf32> to vector<8x32xf32>
    %dot_general3A_15 = arith.constant dense<0.000000e+00> : vector<1600x32xf32>
    %dot_general3A_16 = tpu.matmul %get3A_13, %slice3A_14, %dot_general3A_15 {dimension_numbers = #tpu.dot_dimension_numbers<[1], [0], [0], [1], [0, 0, 1, 1], [], []>, precision = #tpu.contract_precision<fp32>, transpose_lhs_hint = false} : vector<1600x8xf32>, vector<8x32xf32>, vector<1600x32xf32> -> vector<1600x32xf32>
    %add3A_17 = arith.addf %add3A_10, %dot_general3A_16 : vector<1600x32xf32>
    %slice3A_18 = vector.extract_strided_slice %get3A_4 {offsets = [8, 0], sizes = [1, 32], strides = [1, 1]} : vector<16x32xf32> to vector<1x32xf32>
    %add3A_19 = vector.broadcast %slice3A_18 : vector<1x32xf32> to vector<1600x32xf32>
    %add3A_20 = arith.addf %add3A_17, %add3A_19 : vector<1600x32xf32>
    %ge3A = arith.constant 0.000000e+00 : f32
    %ge3A_21 = vector.broadcast %ge3A : f32 to vector<1600x32xf32>
    %ge3A_22 = arith.cmpf oge, %add3A_20, %ge3A_21 : vector<1600x32xf32>
    %mul3A = arith.constant 2.000000e-01 : f32
    %mul3A_23 = vector.broadcast %mul3A : f32 to vector<1600x32xf32>
    %mul3A_24 = arith.mulf %mul3A_23, %add3A_20 : vector<1600x32xf32>
    %select_n3A = arith.select %ge3A_22, %add3A_20, %mul3A_24 : vector<1600x32xi1>, vector<1600x32xf32>
    %swap3A = arith.constant 0 : index
    %swap3A_25 = arith.constant 0 : index
    %swap3A_26 = vector.load %arg5[%swap3A, %swap3A_25] : memref<1600x32xf32, #tpu.memory_space<vmem>>, vector<1600x32xf32>
    tpu.vector_store %arg5[%swap3A, %swap3A_25], %select_n3A {strides = array<i32>} : memref<1600x32xf32, #tpu.memory_space<vmem>>, vector<1600x32xf32>,
    return
  }
  func.func @transform_0(%arg0: i32) -> (i32, i32) {
    %c0_i32 = arith.constant 0 : i32
    %c0_i32_0 = arith.constant 0 : i32
    return %arg0, %c0_i32 : i32, i32
  }
  func.func @transform_1(%arg0: i32) -> (i32, i32) {
    %c0_i32 = arith.constant 0 : i32
    %c0_i32_0 = arith.constant 0 : i32
    return %arg0, %c0_i32 : i32, i32
  }
  func.func @transform_2(%arg0: i32) -> (i32, i32) {
    %c0_i32 = arith.constant 0 : i32
    %c0_i32_0 = arith.constant 0 : i32
    %c0_i32_1 = arith.constant 0 : i32
    return %c0_i32, %c0_i32_0 : i32, i32
  }
  func.func @transform_3(%arg0: i32) -> (i32, i32) {
    %c0_i32 = arith.constant 0 : i32
    %c0_i32_0 = arith.constant 0 : i32
    %c0_i32_1 = arith.constant 0 : i32
    return %c0_i32, %c0_i32_0 : i32, i32
  }
  func.func @transform_4(%arg0: i32) -> (i32, i32) {
    %c0_i32 = arith.constant 0 : i32
    %c0_i32_0 = arith.constant 0 : i32
    return %arg0, %c0_i32 : i32, i32
  }
}

</mosaic_0001>

<sc_bundles>
// kernel: kernel.11.cloned.1.call-start
scs
__scs_entry_jumppad:
0x0: {  	(pc) =	sbr.rel $0x88, $3  }
0x1: {  	(tag) =	ssettag $0x0;
	lr =	simm.s32 $0x1  }
0x2: {  	[smem:$0x3F80] =	sst lr;
	_ =	strace $0xD0000000  }
0x3: {  	_ = 	snop  }
0x4: {  	_ = 	snop  }
0x5: {  	_ = 	snop  }
0x6: {  	_ = 	snop  }
0x7: {  	_ = 	snop  }
__scs_overlays_trampoline_lowered:
0x8: {  	[smem:$0x3F8F] =	sst s0  }
0x9: {  	[smem:$0x3F90] =	sst s1  }
0xa: {  	[smem:$0x3F91] =	sst s2  }
0xb: {  	[smem:$0x3F92] =	sst s3  }
0xc: {  	[smem:$0x3F93] =	sst s4  }
0xd: {  	[smem:$0x3F94] =	sst s5  }
0xe: {  	[smem:$0x3F95] =	sst s6  }
0xf: {  	[smem:$0x3F96] =	sst s7  }
0x10: {  	[smem:$0x3F97] =	sst s8  }
0x11: {  	[smem:$0x3F98] =	sst s9;
	s0 =	simm.s32 @!p0 $0x0  }
0x12: {  	s1 =	sld [smem:$0x3F7E];
	s0 =	simm.s32 @p0 $0x1  }
0x13: {  	[smem:$0x3F99] =	sst s0;
	s0 =	simm.s32 @!p1 $0x0  }
0x14: {  	s2 =	sld [smem:$0x3F7D];
	s0 =	simm.s32 @p1 $0x1  }
0x15: {  	[smem:$0x3F9A] =	sst s0;
	s0 =	simm.s32 @!p2 $0x0  }
0x16: {  	s3 =	sld [smem:$0x3FDB];
	s0 =	simm.s32 @p2 $0x1  }
0x17: {  	s4 =	simm.s32 $0x1BF5;
	[smem:$0x3F9C] =	sst s0  }
0x18: {  	s0 =	sld [smem:$0x3F7F];
	_ =	swait.ge [sflag:s4], $0x0  }
0x19: {  	s7 =	sld [smem:$0x3F80]  }
0x1a: {  	s8 =	sadd.s32 $0xFFFFE003, lr  }
0x1b: {  	s9 =	sadd.s32 $0xFFFFFEF7, lr;
	s5 =	simm.s32 $0xFFFFFFFF;
	p2 =	slt.u32 s8, $0xFFFFF086  }
0x1c: {  	p1 =	slt.u32 s9, $0xF7A;
	s5 =	simm.s32 @!p2 $0x0  }
0x1d: {  	s5 =	simm.s32 @p1 $0x1;
	p0 =	seq.s32 s7, s2  }
0x1e: {  	s7 =	smul.u32 @!p0 $0xF7A, s2;
	p2 =	seq.s32 @!p0 s5, $0x0  }
0x1f: {  	s9 =	smul.u32 $0xF7A, s1;
	s8 =	simm.s32 @!p0 $0x1BF5;
	p2 =	por !p2, p0  }
0x20: {  	[sflag:s8] =	ssyncset.s32 @!p0 $0xFFFFF086;
	s6 =	sadd.s32 @!p0 s3, s7;
	s7 =	simm.s32 @!p0 $0x108  }
0x21: {  	s3 =	sadd.s32 s3, s9;
	s6 =	sadd.s32 @!p0 $0x88, s6;
	s7 =	simm.s32 @p2 $0x1082  }
0x22: {  	[simem:s7], [sflag:s8] =	dma.local @!p0 [hbm:s6], $0xF7A  }
0x23: {  	s9 =	sor.u32 $0xD0000000, s2;
	s6 =	simm.s32 $0x108;
	_ =	swait.ge @!p0 [sflag:s8], $0x0  }
0x24: {  	s3 =	sadd.s32 $0x88, s3;
	s6 =	simm.s32 @!p1 $0x1082;
	[sflag:s4] =	ssyncset.s32 $0xFFFFF086  }
0x25: {  	[simem:s6], [sflag:s4] =	dma.local [hbm:s3], $0xF7A  }
0x26: {  	[smem:$0x3F80] =	sst s1;
	(tag) =	ssettag s2;
	_ =	strace s9  }
0x27: {  	s1 =	sld [smem:$0x3F90]  }
0x28: {  	s2 =	sld [smem:$0x3F91]  }
0x29: {  	s4 =	sld [smem:$0x3F93]  }
0x2a: {  	p0 =	seq.s32 s5, $0x0;
	s5 =	sld [smem:$0x3F94]  }
0x2b: {  	s6 =	sld [smem:$0x3F95]  }
0x2c: {  	s7 =	sld [smem:$0x3F96]  }
0x2d: {  	s3 =	simm.s32 $0x108;
	s8 =	sld [smem:$0x3F97]  }
0x2e: {  	s3 =	simm.s32 @!p0 $0x1082;
	s9 =	sld [smem:$0x3F98]  }
0x2f: {  	lr =	sadd.s32 s0, s3;
	s0 =	sld [smem:$0x3F8F]  }
0x30: {  	s3 =	sld [smem:$0x3F92]  }
0x31: {  	[smem:$0x3F9B] =	sst s10  }
0x32: {  	s10 =	sld [smem:$0x3F99];
	_ =	sdelay $0x3  }
0x33: {  	p0 =	seq.s32 s10, $0x1;
	s10 =	sld [smem:$0x3F9B];
	_ =	sdelay $0x3  }
0x34: {  	[smem:$0x3F9B] =	sst s10  }
0x35: {  	s10 =	sld [smem:$0x3F9A];
	_ =	sdelay $0x3  }
0x36: {  	p1 =	seq.s32 s10, $0x1;
	s10 =	sld [smem:$0x3F9B];
	_ =	sdelay $0x3  }
0x37: {  	[smem:$0x3F9B] =	sst s10  }
0x38: {  	s10 =	sld [smem:$0x3F9C]  }
0x39: {  	_ = 	snop;
	(pc) =	sbr.ind lr, $3  }
0x3a: {  	_ = 	snop  }
0x3b: {  	_ = 	snop  }
0x3c: {  	p2 =	seq.s32 s10, $0x1;
	s10 =	sld [smem:$0x3F9B]  }
0x3d: {  	_ =	shalt  }
0x3e: {  	_ =	shalt  }
0x3f: {  	_ =	shalt  }
0x40: {  	_ =	shalt  }
0x41: {  	_ =	shalt  }
0x42: {  	_ =	shalt  }
0x43: {  	_ =	shalt  }
0x44: {  	_ =	shalt  }
0x45: {  	_ =	shalt  }
0x46: {  	_ =	shalt  }
0x47: {  	_ =	shalt  }
0x48: {  	_ =	shalt  }
0x49: {  	_ =	shalt  }
0x4a: {  	_ =	shalt  }
0x4b: {  	_ =	shalt  }
0x4c: {  	_ =	shalt  }
0x4d: {  	_ =	shalt  }
0x4e: {  	_ =	shalt  }
0x4f: {  	_ =	shalt  }
0x50: {  	_ =	shalt  }
0x51: {  	_ =	shalt  }
0x52: {  	_ =	shalt  }
0x53: {  	_ =	shalt  }
0x54: {  	_ =	shalt  }
0x55: {  	_ =	shalt  }
0x56: {  	_ =	shalt  }
0x57: {  	_ =	shalt  }
0x58: {  	_ =	shalt  }
0x59: {  	_ =	shalt  }
0x5a: {  	_ =	shalt  }
0x5b: {  	_ =	shalt  }
0x5c: {  	_ =	shalt  }
0x5d: {  	_ =	shalt  }
0x5e: {  	_ =	shalt  }
0x5f: {  	_ =	shalt  }
0x60: {  	_ =	shalt  }
0x61: {  	_ =	shalt  }
0x62: {  	_ =	shalt  }
0x63: {  	_ =	shalt  }
0x64: {  	_ =	shalt  }
0x65: {  	_ =	shalt  }
0x66: {  	_ =	shalt  }
0x67: {  	_ =	shalt  }
0x68: {  	_ =	shalt  }
0x69: {  	_ =	shalt  }
0x6a: {  	_ =	shalt  }
0x6b: {  	_ =	shalt  }
0x6c: {  	_ =	shalt  }
0x6d: {  	_ =	shalt  }
0x6e: {  	_ =	shalt  }
0x6f: {  	_ =	shalt  }
0x70: {  	_ =	shalt  }
0x71: {  	_ =	shalt  }
0x72: {  	_ =	shalt  }
0x73: {  	_ =	shalt  }
0x74: {  	_ =	shalt  }
0x75: {  	_ =	shalt  }
0x76: {  	_ =	shalt  }
0x77: {  	_ =	shalt  }
0x78: {  	_ =	shalt  }
0x79: {  	_ =	shalt  }
0x7a: {  	_ =	shalt  }
0x7b: {  	_ =	shalt  }
0x7c: {  	_ =	shalt  }
0x7d: {  	_ =	shalt  }
0x7e: {  	_ =	shalt  }
0x7f: {  	_ =	shalt  }
0x80: {  	_ =	shalt  }
0x81: {  	_ =	shalt  }
0x82: {  	_ =	shalt  }
0x83: {  	_ =	shalt  }
0x84: {  	_ =	shalt  }
0x85: {  	_ =	shalt  }
0x86: {  	_ =	shalt  }
0x87: {  	_ =	shalt  }
.Lfunc_end0:
.L_simem_size_0:
called_computation_lowered:
.L_overlay_start_0:
0x88: {  	s2 =	sld [smem:$0x3FD9]  }
0x89: {  	s3 =	sld [smem:$0x3FFE];
	_ =	sdelay $0x1  }
0x8a: {  	s1 =	srdreg.scid  }
0x8b: {  	s0 =	sand.u32 $0x1, s1  }
0x8c: {  	s17 =	sshll.u32 s0, $0xA;
	s2 =	sadd.s32 s3, s2  }
0x8d: {  	s2 =	sadd.s32 s2, s17  }
0x8e: {  	[smem:$0x3FA7] =	sst s2  }
0x8f: {  	_ = 	snop  }
0x90: {  	s2 =	sld [smem:$0x3FD0];
	(tm) =	ssettm $0x1  }
0x91: {  	s18 =	sld [smem:$0x3FFB];
	_ =	sdelay $0x3  }
0x92: {  	_ =	strace s18  }
0x93: {  	s3 =	sld [smem:$0x3FFC];
	_ =	sdelay $0x3  }
0x94: {  	_ =	strace s3  }
0x95: {  	s3 =	sld [smem:$0x3FFD];
	_ =	sdelay $0x3  }
0x96: {  	_ =	strace s3  }
0x97: {  	_ =	strace $0x8FFFFFFF  }
0x98: {  	s19 =	sld [smem:$0x3FDB];
	_ =	sdelay $0x1  }
0x99: {  	s4 =	simm.s32 $_scs_section_size  }
0x9a: {  	s5 =	simm.s32 $_size__tile_overlayer_lowered;
	s6 =	simm.s32 $_tile_overlayer_lowered  }
0x9b: {  	s22 =	simm.s32 $0x1BFF;
	s21 =	sshll.u32 s6, $0x1;
	s3 =	sadd.s32 s4, s19  }
0x9c: {  	s7 =	simm.s32 $0x0;
	s20 =	sshll.u32 s5, $0x1;
	s5 =	sadd.s32 s21, s3  }
0x9d: {  	[timem:s7], [sflag:s22] =	dma.local [hbm:s5], s20  }
0x9e: {  	_ =	swait.ge [sflag:s22], s20  }
0x9f: {  	s4 =	ssub.s32 $0x0, s20;
	[sflag:s22] =	ssyncset.done $0x0  }
0xa0: {  	[sflag:s22] =	ssyncadd.s32 s4;
	_ =	sdelay $0x1  }
0xa1: {  	s23 =	simm.s32 $0x1B8B  }
0xa2: {  	_ =	swait.ge [sflag:s23], $0x1  }
0xa3: {  	[sflag:s23] =	ssyncset.done $0x0  }
0xa4: {  	s25 =	simm.s32 $0x1B8E;
	s24 =	sld [smem:$0x3FFE];
	[sflag:s23] =	ssyncadd.s32 $0xFFFFFFFF  }
0xa5: {  	s26 =	simm.s32 $execute0_lowered;
	[smem:$0x3FD2] =	sst s25  }
0xa6: {  	s5 =	sshll.u32 s26, $0x1;
	_ =	strace $0x80000046;
	[dreg:$0x1] =	wrdreg $0xFFFFFFFF  }
0xa7: {  	s28 =	simm.s32 $_size_execute0_lowered;
	s3 =	sadd.s32 s3, s5;
	[dreg:$0x0] =	wrdreg $0x0  }
0xa8: {  	s5 =	sshll.u32 s28, $0x1;
	[dreg:$0x2] =	wrdreg s3  }
0xa9: {  	[dreg:$0x3] =	wrdreg s5  }
0xaa: {  	[dreg:$0x4] =	wrdreg $0xC0  }
0xab: {  	_ =	task [dreg:s7], $0x5FFFF  }
0xac: {  	[dreg:$0x1] =	wrdreg $0xFFFFFFFF  }
0xad: {  	[dreg:$0x0] =	wrdreg $0x60  }
0xae: {  	[dreg:$0x2] =	wrdreg s24  }
0xaf: {  	[dreg:$0x3] =	wrdreg s2  }
0xb0: {  	[dreg:$0x4] =	wrdreg $0x9  }
0xb1: {  	_ =	task.clear_ibuf [dreg:s7], $0x5FFFF;
	_ =	strace $0x90000046  }
0xb2: {  	s29 =	simm.s32 $0x9;
	_ =	strace $0x80000048  }
0xb3: {  	_ =	swait.ge [sflag:s29], $0x1  }
0xb4: {  	[sflag:s29] =	ssyncadd.s32 $0xFFFFFFFF  }
0xb5: {  	_ =	strace $0x90000048  }
0xb6: {  	_ =	sfence  }
0xb7: {  	s30 =	sld [smem:$0x0];
	_ =	sdelay $0x2  }
0xb8: {  	s31 =	sshll.u32 s1, $0xD;
	s1 =	sshrl.u32 s1, $0x2  }
0xb9: {  	s3 =	sand.u32 $0x4000, s31;
	s1 =	sadd.s32 s1, s30  }
0xba: {  	s0 =	sor.u32 s3, s0;
	s1 =	sshll.u32 s1, $0x11  }
0xbb: {  	s0 =	sor.u32 s1, s0  }
0xbc: {  	s0 =	sadd.s32 $0x8F2B, s0  }
0xbd: {  	[sflag:s0] =	ssyncadd.remote.s32 $0x1  }
0xbe: {  	_ =	sfence.sel $0xFFFF  }
0xbf: {  	[dreg:$0x0] =	wrdreg $0xFFFFFFFF;
	(pc) =	sbr.abs _section_cstart, $3  }
0xc0: {  	[dreg:$0x1] =	wrdreg $0xFFFFFFFF  }
0xc1: {  	_ =	task.clear_ibuf [dreg:s7], $0x2FFFF;
	_ =	strace $0x9FFFFFFF  }
0xc2: {  	(tm) =	ssettm $0x7FFFFFFF  }
0xc3: {  	_ =	shalt  }
tec
execute0_lowered:
.L_overlay_start_1:
0x0: {  	(tag) =	ssettag $0x1  }
0x1: {  	s4 =	rddreg [dreg:$0x0]  }
0x2: {  	s5 =	rddreg [dreg:$0x1]  }
0x3: {  	s0 =	rddreg [dreg:$0x2]  }
0x4: {  	s2 =	simm.s32 $0x0;
	s3 =	srdreg.scid;
	s1 =	stileid.u32  }
0x5: {  	[smem:$0x7FF] =	sst s2;
	s6 =	sand.u32 $0x1, s3;
	s3 =	sadd.s32 $0x61F200, s4  }
0x6: {  	s7 =	sshll.u32 s1, $0x9;
	s31 =	sshll.u32 s1, $0x5;
	_ =	strace $0x80000047  }
0x7: {  	s8 =	ssub.s32 $0x2, s6;
	s4 =	sadd.s32 s7, s4;
	s9 =	sshll.u32 s6, $0x8  }
0x8: {  	s10 =	sshll.u32 s6, $0x4;
	s29 =	sshrl.u32 s8, $0x1;
	s30 =	sadd.s32 s9, s4  }
0x9: {  	s4 =	sshll.u32 s1, $0x1;
	s9 =	sadd.s32 s31, s5;
	s7 =	ssub.s32 s8, s29  }
0xa: {  	s6 =	sadd.s32 $0x92C600, s30;
	s5 =	smax.u32 s7, $0x1;
	s7 =	sadd.s32 s10, s9  }
.LBB2_1:
0xb: {  	s9 =	sadd.s32 $0x0, s4  }
0xc: {  	p1 =	sgt.u32 s9, $0x61A7  }
0xd: {  	s8 =	simm.s32 @!p1 $0x0;
	s10 =	simm.s32 @!p1 $0x3;
	p0 =	por p1, p1  }
0xe: {  	[tilespmem:s8], [sflag:$0x3] =	stream.linear.gather @!p0 [hbm4b:s7+s8], $0x80, $0x38;
	[tilespmem:$0x880] =	vst v63  }
0xf: {  	_ =	swait.ge @!p0 [sflag:s10], $0x80  }
0x10: {  	[sflag:s10] =	ssyncset.done @!p0 $0x0  }
0x11: {  	[sflag:s10] =	ssyncadd.s32 @!p0 $0xFFFFFF80  }
0x12: {  	s9 =	smul.u32 @!p1 $0x53E3, s9;
	v0 =	vld @!p0 [tilespmem:$0x50]  }
0x13: {  	v1 =	vld @!p0 [tilespmem:$0x30]  }
0x14: {  	s9 =	sshrl.u32 @!p0 s9, $0x1B;
	v2 =	vld @!p0 [tilespmem:$0x20]  }
0x15: {  	s10 =	smul.u32 @!p0 $0xC350, s9;
	v3 =	vld @!p0 [tilespmem:$0x10]  }
0x16: {  	v4 =	vld @!p0 [tilespmem:$0x40]  }
0x17: {  	v5 =	vld @!p0 [tilespmem:$0x0];
	v0 =	vadd.s32 @!p0 s10, v0  }
0x18: {  	v6 =	vld @!p0 [tilespmem:$0x60];
	v1 =	vadd.s32 @!p0 s10, v1;
	v0 =	vshll.u32 @!p0 v0, $0x3  }
0x19: {  	v7 =	vld @!p0 [tilespmem:$0x70];
	v2 =	vadd.s32 @!p0 s10, v2;
	v1 =	vshll.u32 @!p0 v1, $0x3;
	[tilespmem:$0x50] =	vst @!p0 v0  }
0x1a: {  	v2 =	vshll.u32 @!p0 v2, $0x3;
	v0 =	vadd.s32 @!p0 s10, v3;
	[tilespmem:$0x30] =	vst @!p0 v1  }
0x1b: {  	[tilespmem:$0x20] =	vst @!p0 v2;
	v1 =	vadd.s32 @!p0 s10, v4;
	v0 =	vshll.u32 @!p0 v0, $0x3  }
0x1c: {  	v2 =	vadd.s32 @!p0 s10, v5;
	[tilespmem:$0x10] =	vst @!p0 v0;
	v0 =	vshll.u32 @!p0 v1, $0x3  }
0x1d: {  	s11 =	smov.u32 s6;
	v1 =	vshll.u32 @!p0 v2, $0x3;
	[tilespmem:$0x40] =	vst @!p0 v0;
	v0 =	vadd.s32 @!p0 s10, v6  }
0x1e: {  	s12 =	smov.u32 s7;
	s9 =	simm.s32 $0x20;
	[tilespmem:$0x0] =	vst @!p0 v1;
	v1 =	vadd.s32 @!p0 s10, v7;
	s10 =	smov.u32 s6;
	v0 =	vshll.u32 @!p0 v0, $0x3  }
.LBB2_2:
0x1f: {  	s11 =	sadd.s32 $0x2000, s11  }
0x20: {  	[tilespmem:$0x60] =	vst @!p0 v0;
	v0 =	vshll.u32 @!p0 v1, $0x3;
	s12 =	sadd.s32 $0x200, s12;
	s13 =	smov.u32 s9;
	s9 =	sadd.s32 $0x20, s9  }
0x21: {  	s14 =	simm.s32 @!p0 $0x80;
	s15 =	simm.s32 @!p0 $0x1;
	p1 =	sne.s32 s9, $0x61C0;
	[tilespmem:$0x70] =	vst @!p0 v0  }
0x22: {  	[tilespmem:s14], [sflag:$0x1] =	stream.indirect.gather @!p0 [hbm4b:s3+s14], $0x10, s8, s14, $0xb8;
	[tilespmem:$0x880] =	vst v63  }
0x23: {  	_ =	swait.ge @!p0 [sflag:s15], $0x800  }
0x24: {  	s13 =	sadd.s32 s13, s4;
	[sflag:s15] =	ssyncset.done @!p0 $0x0  }
0x25: {  	p2 =	sgt.u32 s13, $0x61A7;
	[sflag:s15] =	ssyncadd.s32 @!p0 $0xFFFFF800;
	s15 =	simm.s32 @!p0 $0x2  }
0x26: {  	[hbm4b:s10+s8] =	stream.linear.scatter @!p0 [tilespmem:s14], [sflag:$0x2], $0x800, $0x38;
	[tilespmem:$0x880] =	vst v63  }
0x27: {  	s8 =	simm.s32 @!p2 $0x0;
	s14 =	simm.s32 @!p2 $0x3;
	_ =	swait.ge @!p0 [sflag:s15], $0x800  }
0x28: {  	s13 =	smul.u32 @!p2 $0x53E3, s13;
	s10 =	smov.u32 s11;
	[sflag:s15] =	ssyncset.done @!p0 $0x0  }
0x29: {  	[sflag:s15] =	ssyncadd.s32 @!p0 $0xFFFFF800;
	p0 =	por p2, p2  }
0x2a: {  	[tilespmem:s8], [sflag:$0x3] =	stream.linear.gather @!p0 [hbm4b:s12+s8], $0x80, $0x38;
	[tilespmem:$0x880] =	vst v63  }
0x2b: {  	s13 =	sshrl.u32 @!p0 s13, $0x1B;
	_ =	swait.ge @!p0 [sflag:s14], $0x80  }
0x2c: {  	[sflag:s14] =	ssyncset.done @!p0 $0x0  }
0x2d: {  	[sflag:s14] =	ssyncadd.s32 @!p0 $0xFFFFFF80  }
0x2e: {  	v0 =	vld @!p0 [tilespmem:$0x50]  }
0x2f: {  	s13 =	smul.u32 @!p0 $0xC350, s13;
	v1 =	vld @!p0 [tilespmem:$0x30]  }
0x30: {  	v2 =	vld @!p0 [tilespmem:$0x20]  }
0x31: {  	v3 =	vld @!p0 [tilespmem:$0x10]  }
0x32: {  	v4 =	vld @!p0 [tilespmem:$0x40]  }
0x33: {  	v5 =	vld @!p0 [tilespmem:$0x0];
	v0 =	vadd.s32 @!p0 s13, v0  }
0x34: {  	v1 =	vadd.s32 @!p0 s13, v1;
	v0 =	vshll.u32 @!p0 v0, $0x3;
	v6 =	vld @!p0 [tilespmem:$0x60]  }
0x35: {  	v2 =	vadd.s32 @!p0 s13, v2;
	v1 =	vshll.u32 @!p0 v1, $0x3;
	[tilespmem:$0x50] =	vst @!p0 v0;
	v7 =	vld @!p0 [tilespmem:$0x70]  }
.Ltmp0:
0x36: {  	v0 =	vadd.s32 @!p0 s13, v3;
	v2 =	vshll.u32 @!p0 v2, $0x3;
	[tilespmem:$0x30] =	vst @!p0 v1;
	(pc) =	sbr.rel @p1 .LBB2_2-.Ltmp0, $4  }
0x37: {  	v0 =	vshll.u32 @!p0 v0, $0x3;
	[tilespmem:$0x20] =	vst @!p0 v2;
	v1 =	vadd.s32 @!p0 s13, v4  }
0x38: {  	v2 =	vadd.s32 @!p0 s13, v5;
	[tilespmem:$0x10] =	vst @!p0 v0;
	v0 =	vshll.u32 @!p0 v1, $0x3  }
0x39: {  	v1 =	vshll.u32 @!p0 v2, $0x3;
	[tilespmem:$0x40] =	vst @!p0 v0;
	v0 =	vadd.s32 @!p0 s13, v6  }
0x3a: {  	[tilespmem:$0x0] =	vst @!p0 v1;
	v0 =	vshll.u32 @!p0 v0, $0x3;
	v1 =	vadd.s32 @!p0 s13, v7  }
0x3b: {  	[tilespmem:$0x60] =	vst @!p0 v0;
	v0 =	vshll.u32 @!p0 v1, $0x3  }
0x3c: {  	s9 =	simm.s32 @!p0 $0x80;
	s11 =	simm.s32 @!p0 $0x1;
	[tilespmem:$0x70] =	vst @!p0 v0  }
0x3d: {  	[tilespmem:s9], [sflag:$0x1] =	stream.indirect.gather @!p0 [hbm4b:s3+s9], $0x10, s8, s9, $0xb8;
	[tilespmem:$0x880] =	vst v63  }
0x3e: {  	s2 =	sadd.s32 $0x1, s2;
	_ =	swait.ge @!p0 [sflag:s11], $0x800  }
0x3f: {  	p1 =	sne.s32 s2, s5;
	[sflag:s11] =	ssyncset.done @!p0 $0x0  }
.Ltmp1:
0x40: {  	[sflag:s11] =	ssyncadd.s32 @!p0 $0xFFFFF800;
	s11 =	simm.s32 @!p0 $0x2;
	(pc) =	sbr.rel @p1 .LBB2_1-.Ltmp1, $4  }
0x41: {  	[hbm4b:s10+s8] =	stream.linear.scatter @!p0 [tilespmem:s9], [sflag:$0x2], $0x800, $0x38;
	[tilespmem:$0x880] =	vst v63  }
0x42: {  	_ =	swait.ge @!p0 [sflag:s11], $0x800  }
0x43: {  	[sflag:s11] =	ssyncset.done @!p0 $0x0  }
0x44: {  	[sflag:s11] =	ssyncadd.s32 @!p0 $0xFFFFF800  }
0x45: {  	_ =	sfence.sel $0x180000  }
0x46: {  	[bflag:$0x0] =	sbarrier.arrive $0xFFFF  }
0x47: {  	p0 =	sne.s32 s1, $0x0;
	_ =	strace $0x90000047  }
0x48: {  	s0 =	sadd.s32 @!p0 $0x100000, s0;
	[bflag:$0x2] =	sbarrier.arrive $0xFFFF  }
0x49: {  	[sflag:s0] =	ssyncadd.tile.s32 @!p0 $0x1;
	_ =	shalt  }
.Lfunc_end2:
_tile_overlayer_lowered:
.L_overlay_start_2:
0x4a: {  	(tag) =	ssettag $0x2  }
0x4b: {  	s0 =	rddreg [dreg:$0x0];
	s2 =	stileid.u32  }
0x4c: {  	s1 =	rddreg [dreg:$0x1];
	p0 =	sne.s32 s2, $0x0  }
0x4d: {  	s3 =	rddreg [dreg:$0x2];
	[bflag:$0x3] =	sbarrier.arrive $0xFFFF;
	s2 =	simm.s32 @!p0 $0x1C02  }
0x4e: {  	[timem:s3], [sflag:s2] =	dma.local @!p0 [hbm:s0], s1  }
0x4f: {  	s0 =	simm.s32 @!p0 $0x2  }
0x50: {  	_ =	swait.ge @!p0 [sflag:s0], s1  }
0x51: {  	s1 =	ssub.s32 @!p0 $0x0, s1;
	[sflag:s0] =	ssyncset.done @!p0 $0x0  }
0x52: {  	[sflag:s0] =	ssyncadd.s32 @!p0 s1  }
0x53: {  	[bflag:$0x3] =	sbarrier.arrive $0xFFFF  }
0x54: {  	_ =	shalt  }

// kernel: kernel.14.cloned.1.call-start
scs
__scs_entry_jumppad:
0x0: {  	(pc) =	sbr.rel $0x88, $3  }
0x1: {  	(tag) =	ssettag $0x0;
	lr =	simm.s32 $0x1  }
0x2: {  	[smem:$0x3F80] =	sst lr;
	_ =	strace $0xD0000000  }
0x3: {  	_ = 	snop  }
0x4: {  	_ = 	snop  }
0x5: {  	_ = 	snop  }
0x6: {  	_ = 	snop  }
0x7: {  	_ = 	snop  }
__scs_overlays_trampoline_lowered:
0x8: {  	[smem:$0x3F8F] =	sst s0  }
0x9: {  	[smem:$0x3F90] =	sst s1  }
0xa: {  	[smem:$0x3F91] =	sst s2  }
0xb: {  	[smem:$0x3F92] =	sst s3  }
0xc: {  	[smem:$0x3F93] =	sst s4  }
0xd: {  	[smem:$0x3F94] =	sst s5  }
0xe: {  	[smem:$0x3F95] =	sst s6  }
0xf: {  	[smem:$0x3F96] =	sst s7  }
0x10: {  	[smem:$0x3F97] =	sst s8  }
0x11: {  	[smem:$0x3F98] =	sst s9;
	s0 =	simm.s32 @!p0 $0x0  }
0x12: {  	s1 =	sld [smem:$0x3F7E];
	s0 =	simm.s32 @p0 $0x1  }
0x13: {  	[smem:$0x3F99] =	sst s0;
	s0 =	simm.s32 @!p1 $0x0  }
0x14: {  	s2 =	sld [smem:$0x3F7D];
	s0 =	simm.s32 @p1 $0x1  }
0x15: {  	[smem:$0x3F9A] =	sst s0;
	s0 =	simm.s32 @!p2 $0x0  }
0x16: {  	s3 =	sld [smem:$0x3FDB];
	s0 =	simm.s32 @p2 $0x1  }
0x17: {  	s4 =	simm.s32 $0x1BF5;
	[smem:$0x3F9C] =	sst s0  }
0x18: {  	s0 =	sld [smem:$0x3F7F];
	_ =	swait.ge [sflag:s4], $0x0  }
0x19: {  	s7 =	sld [smem:$0x3F80]  }
0x1a: {  	s8 =	sadd.s32 $0xFFFFE003, lr  }
0x1b: {  	s9 =	sadd.s32 $0xFFFFFEF7, lr;
	s5 =	simm.s32 $0xFFFFFFFF;
	p2 =	slt.u32 s8, $0xFFFFF086  }
0x1c: {  	p1 =	slt.u32 s9, $0xF7A;
	s5 =	simm.s32 @!p2 $0x0  }
0x1d: {  	s5 =	simm.s32 @p1 $0x1;
	p0 =	seq.s32 s7, s2  }
0x1e: {  	s7 =	smul.u32 @!p0 $0xF7A, s2;
	p2 =	seq.s32 @!p0 s5, $0x0  }
0x1f: {  	s9 =	smul.u32 $0xF7A, s1;
	s8 =	simm.s32 @!p0 $0x1BF5;
	p2 =	por !p2, p0  }
0x20: {  	[sflag:s8] =	ssyncset.s32 @!p0 $0xFFFFF086;
	s6 =	sadd.s32 @!p0 s3, s7;
	s7 =	simm.s32 @!p0 $0x108  }
0x21: {  	s3 =	sadd.s32 s3, s9;
	s6 =	sadd.s32 @!p0 $0x88, s6;
	s7 =	simm.s32 @p2 $0x1082  }
0x22: {  	[simem:s7], [sflag:s8] =	dma.local @!p0 [hbm:s6], $0xF7A  }
0x23: {  	s9 =	sor.u32 $0xD0000000, s2;
	s6 =	simm.s32 $0x108;
	_ =	swait.ge @!p0 [sflag:s8], $0x0  }
0x24: {  	s3 =	sadd.s32 $0x88, s3;
	s6 =	simm.s32 @!p1 $0x1082;
	[sflag:s4] =	ssyncset.s32 $0xFFFFF086  }
0x25: {  	[simem:s6], [sflag:s4] =	dma.local [hbm:s3], $0xF7A  }
0x26: {  	[smem:$0x3F80] =	sst s1;
	(tag) =	ssettag s2;
	_ =	strace s9  }
0x27: {  	s1 =	sld [smem:$0x3F90]  }
0x28: {  	s2 =	sld [smem:$0x3F91]  }
0x29: {  	s4 =	sld [smem:$0x3F93]  }
0x2a: {  	p0 =	seq.s32 s5, $0x0;
	s5 =	sld [smem:$0x3F94]  }
0x2b: {  	s6 =	sld [smem:$0x3F95]  }
0x2c: {  	s7 =	sld [smem:$0x3F96]  }
0x2d: {  	s3 =	simm.s32 $0x108;
	s8 =	sld [smem:$0x3F97]  }
0x2e: {  	s3 =	simm.s32 @!p0 $0x1082;
	s9 =	sld [smem:$0x3F98]  }
0x2f: {  	lr =	sadd.s32 s0, s3;
	s0 =	sld [smem:$0x3F8F]  }
0x30: {  	s3 =	sld [smem:$0x3F92]  }
0x31: {  	[smem:$0x3F9B] =	sst s10  }
0x32: {  	s10 =	sld [smem:$0x3F99];
	_ =	sdelay $0x3  }
0x33: {  	p0 =	seq.s32 s10, $0x1;
	s10 =	sld [smem:$0x3F9B];
	_ =	sdelay $0x3  }
0x34: {  	[smem:$0x3F9B] =	sst s10  }
0x35: {  	s10 =	sld [smem:$0x3F9A];
	_ =	sdelay $0x3  }
0x36: {  	p1 =	seq.s32 s10, $0x1;
	s10 =	sld [smem:$0x3F9B];
	_ =	sdelay $0x3  }
0x37: {  	[smem:$0x3F9B] =	sst s10  }
0x38: {  	s10 =	sld [smem:$0x3F9C]  }
0x39: {  	_ = 	snop;
	(pc) =	sbr.ind lr, $3  }
0x3a: {  	_ = 	snop  }
0x3b: {  	_ = 	snop  }
0x3c: {  	p2 =	seq.s32 s10, $0x1;
	s10 =	sld [smem:$0x3F9B]  }
0x3d: {  	_ =	shalt  }
0x3e: {  	_ =	shalt  }
0x3f: {  	_ =	shalt  }
0x40: {  	_ =	shalt  }
0x41: {  	_ =	shalt  }
0x42: {  	_ =	shalt  }
0x43: {  	_ =	shalt  }
0x44: {  	_ =	shalt  }
0x45: {  	_ =	shalt  }
0x46: {  	_ =	shalt  }
0x47: {  	_ =	shalt  }
0x48: {  	_ =	shalt  }
0x49: {  	_ =	shalt  }
0x4a: {  	_ =	shalt  }
0x4b: {  	_ =	shalt  }
0x4c: {  	_ =	shalt  }
0x4d: {  	_ =	shalt  }
0x4e: {  	_ =	shalt  }
0x4f: {  	_ =	shalt  }
0x50: {  	_ =	shalt  }
0x51: {  	_ =	shalt  }
0x52: {  	_ =	shalt  }
0x53: {  	_ =	shalt  }
0x54: {  	_ =	shalt  }
0x55: {  	_ =	shalt  }
0x56: {  	_ =	shalt  }
0x57: {  	_ =	shalt  }
0x58: {  	_ =	shalt  }
0x59: {  	_ =	shalt  }
0x5a: {  	_ =	shalt  }
0x5b: {  	_ =	shalt  }
0x5c: {  	_ =	shalt  }
0x5d: {  	_ =	shalt  }
0x5e: {  	_ =	shalt  }
0x5f: {  	_ =	shalt  }
0x60: {  	_ =	shalt  }
0x61: {  	_ =	shalt  }
0x62: {  	_ =	shalt  }
0x63: {  	_ =	shalt  }
0x64: {  	_ =	shalt  }
0x65: {  	_ =	shalt  }
0x66: {  	_ =	shalt  }
0x67: {  	_ =	shalt  }
0x68: {  	_ =	shalt  }
0x69: {  	_ =	shalt  }
0x6a: {  	_ =	shalt  }
0x6b: {  	_ =	shalt  }
0x6c: {  	_ =	shalt  }
0x6d: {  	_ =	shalt  }
0x6e: {  	_ =	shalt  }
0x6f: {  	_ =	shalt  }
0x70: {  	_ =	shalt  }
0x71: {  	_ =	shalt  }
0x72: {  	_ =	shalt  }
0x73: {  	_ =	shalt  }
0x74: {  	_ =	shalt  }
0x75: {  	_ =	shalt  }
0x76: {  	_ =	shalt  }
0x77: {  	_ =	shalt  }
0x78: {  	_ =	shalt  }
0x79: {  	_ =	shalt  }
0x7a: {  	_ =	shalt  }
0x7b: {  	_ =	shalt  }
0x7c: {  	_ =	shalt  }
0x7d: {  	_ =	shalt  }
0x7e: {  	_ =	shalt  }
0x7f: {  	_ =	shalt  }
0x80: {  	_ =	shalt  }
0x81: {  	_ =	shalt  }
0x82: {  	_ =	shalt  }
0x83: {  	_ =	shalt  }
0x84: {  	_ =	shalt  }
0x85: {  	_ =	shalt  }
0x86: {  	_ =	shalt  }
0x87: {  	_ =	shalt  }
.Lfunc_end0:
.L_simem_size_0:
called_computation.1_lowered:
.L_overlay_start_0:
0x88: {  	s2 =	sld [smem:$0x3FD9]  }
0x89: {  	s3 =	sld [smem:$0x3FFE];
	_ =	sdelay $0x1  }
0x8a: {  	s1 =	srdreg.scid  }
0x8b: {  	s0 =	sand.u32 $0x1, s1  }
0x8c: {  	s17 =	sshll.u32 s0, $0xA;
	s2 =	sadd.s32 s3, s2  }
0x8d: {  	s2 =	sadd.s32 s2, s17  }
0x8e: {  	[smem:$0x3FA7] =	sst s2  }
0x8f: {  	_ = 	snop  }
0x90: {  	s2 =	sld [smem:$0x3FD0];
	(tm) =	ssettm $0x1  }
0x91: {  	s18 =	sld [smem:$0x3FFB];
	_ =	sdelay $0x3  }
0x92: {  	_ =	strace s18  }
0x93: {  	s3 =	sld [smem:$0x3FFC];
	_ =	sdelay $0x3  }
0x94: {  	_ =	strace s3  }
0x95: {  	s3 =	sld [smem:$0x3FFD];
	_ =	sdelay $0x3  }
0x96: {  	_ =	strace s3  }
0x97: {  	_ =	strace $0x8FFFFFFF  }
0x98: {  	s19 =	sld [smem:$0x3FDB];
	_ =	sdelay $0x1  }
0x99: {  	s4 =	simm.s32 $_scs_section_size  }
0x9a: {  	s5 =	simm.s32 $_size__tile_overlayer_lowered;
	s6 =	simm.s32 $_tile_overlayer_lowered  }
0x9b: {  	s22 =	simm.s32 $0x1BFF;
	s21 =	sshll.u32 s6, $0x1;
	s3 =	sadd.s32 s4, s19  }
0x9c: {  	s7 =	simm.s32 $0x0;
	s20 =	sshll.u32 s5, $0x1;
	s5 =	sadd.s32 s21, s3  }
0x9d: {  	[timem:s7], [sflag:s22] =	dma.local [hbm:s5], s20  }
0x9e: {  	_ =	swait.ge [sflag:s22], s20  }
0x9f: {  	s4 =	ssub.s32 $0x0, s20;
	[sflag:s22] =	ssyncset.done $0x0  }
0xa0: {  	[sflag:s22] =	ssyncadd.s32 s4;
	_ =	sdelay $0x1  }
0xa1: {  	s23 =	simm.s32 $0x1B8B  }
0xa2: {  	_ =	swait.ge [sflag:s23], $0x1  }
0xa3: {  	[sflag:s23] =	ssyncset.done $0x0  }
0xa4: {  	s25 =	simm.s32 $0x1B8E;
	s24 =	sld [smem:$0x3FFE];
	[sflag:s23] =	ssyncadd.s32 $0xFFFFFFFF  }
0xa5: {  	s26 =	simm.s32 $execute0_lowered;
	[smem:$0x3FD2] =	sst s25  }
0xa6: {  	s5 =	sshll.u32 s26, $0x1;
	_ =	strace $0x80000049;
	[dreg:$0x1] =	wrdreg $0xFFFFFFFF  }
0xa7: {  	s28 =	simm.s32 $_size_execute0_lowered;
	s3 =	sadd.s32 s3, s5;
	[dreg:$0x0] =	wrdreg $0x0  }
0xa8: {  	s5 =	sshll.u32 s28, $0x1;
	[dreg:$0x2] =	wrdreg s3  }
0xa9: {  	[dreg:$0x3] =	wrdreg s5  }
0xaa: {  	[dreg:$0x4] =	wrdreg $0xC0  }
0xab: {  	_ =	task [dreg:s7], $0x5FFFF  }
0xac: {  	[dreg:$0x1] =	wrdreg $0xFFFFFFFF  }
0xad: {  	[dreg:$0x0] =	wrdreg $0x60  }
0xae: {  	[dreg:$0x2] =	wrdreg s24  }
0xaf: {  	[dreg:$0x3] =	wrdreg s2  }
0xb0: {  	[dreg:$0x4] =	wrdreg $0x9  }
0xb1: {  	_ =	task.clear_ibuf [dreg:s7], $0x5FFFF;
	_ =	strace $0x90000049  }
0xb2: {  	s29 =	simm.s32 $0x9;
	_ =	strace $0x8000004B  }
0xb3: {  	_ =	swait.ge [sflag:s29], $0x1  }
0xb4: {  	[sflag:s29] =	ssyncadd.s32 $0xFFFFFFFF  }
0xb5: {  	_ =	strace $0x9000004B  }
0xb6: {  	_ =	sfence  }
0xb7: {  	s30 =	sld [smem:$0x0];
	_ =	sdelay $0x2  }
0xb8: {  	s31 =	sshll.u32 s1, $0xD;
	s1 =	sshrl.u32 s1, $0x2  }
0xb9: {  	s3 =	sand.u32 $0x4000, s31;
	s1 =	sadd.s32 s1, s30  }
0xba: {  	s0 =	sor.u32 s3, s0;
	s1 =	sshll.u32 s1, $0x11  }
0xbb: {  	s0 =	sor.u32 s1, s0  }
0xbc: {  	s0 =	sadd.s32 $0x8F2B, s0  }
0xbd: {  	[sflag:s0] =	ssyncadd.remote.s32 $0x1  }
0xbe: {  	_ =	sfence.sel $0xFFFF  }
0xbf: {  	[dreg:$0x0] =	wrdreg $0xFFFFFFFF;
	(pc) =	sbr.abs _section_cstart, $3  }
0xc0: {  	[dreg:$0x1] =	wrdreg $0xFFFFFFFF  }
0xc1: {  	_ =	task.clear_ibuf [dreg:s7], $0x2FFFF;
	_ =	strace $0x9FFFFFFF  }
0xc2: {  	(tm) =	ssettm $0x7FFFFFFF  }
0xc3: {  	_ =	shalt  }
tec
execute0_lowered:
.L_overlay_start_1:
0x0: {  	(tag) =	ssettag $0x1  }
0x1: {  	s4 =	rddreg [dreg:$0x0]  }
0x2: {  	s5 =	rddreg [dreg:$0x1]  }
0x3: {  	s0 =	rddreg [dreg:$0x2]  }
0x4: {  	s2 =	simm.s32 $0x0;
	s3 =	srdreg.scid;
	s1 =	stileid.u32  }
0x5: {  	[smem:$0x7FF] =	sst s2;
	s6 =	sand.u32 $0x1, s3;
	s3 =	sadd.s32 $0xF46E00, s4  }
0x6: {  	s7 =	sshll.u32 s1, $0x9;
	s31 =	sshll.u32 s1, $0x5;
	_ =	strace $0x8000004A  }
0x7: {  	s8 =	ssub.s32 $0x2, s6;
	s4 =	sadd.s32 s7, s4;
	s9 =	sshll.u32 s6, $0x8  }
0x8: {  	s10 =	sshll.u32 s6, $0x4;
	s29 =	sshrl.u32 s8, $0x1;
	s30 =	sadd.s32 s9, s4  }
0x9: {  	s4 =	sshll.u32 s1, $0x1;
	s9 =	sadd.s32 s31, s5;
	s7 =	ssub.s32 s8, s29  }
0xa: {  	s6 =	sadd.s32 $0x61F200, s30;
	s5 =	smax.u32 s7, $0x1;
	s7 =	sadd.s32 s10, s9  }
.LBB2_1:
0xb: {  	s9 =	sadd.s32 $0x0, s4  }
0xc: {  	p1 =	sgt.u32 s9, $0x61A7  }
0xd: {  	s8 =	simm.s32 @!p1 $0x0;
	s10 =	simm.s32 @!p1 $0x3;
	p0 =	por p1, p1  }
0xe: {  	[tilespmem:s8], [sflag:$0x3] =	stream.linear.gather @!p0 [hbm4b:s7+s8], $0x80, $0x38;
	[tilespmem:$0x880] =	vst v63  }
0xf: {  	_ =	swait.ge @!p0 [sflag:s10], $0x80  }
0x10: {  	[sflag:s10] =	ssyncset.done @!p0 $0x0  }
0x11: {  	[sflag:s10] =	ssyncadd.s32 @!p0 $0xFFFFFF80  }
0x12: {  	s9 =	smul.u32 @!p1 $0x53E3, s9;
	v0 =	vld @!p0 [tilespmem:$0x50]  }
0x13: {  	v1 =	vld @!p0 [tilespmem:$0x30]  }
0x14: {  	s9 =	sshrl.u32 @!p0 s9, $0x1B;
	v2 =	vld @!p0 [tilespmem:$0x20]  }
0x15: {  	s10 =	smul.u32 @!p0 $0xC350, s9;
	v3 =	vld @!p0 [tilespmem:$0x10]  }
0x16: {  	v4 =	vld @!p0 [tilespmem:$0x40]  }
0x17: {  	v5 =	vld @!p0 [tilespmem:$0x0];
	v0 =	vadd.s32 @!p0 s10, v0  }
0x18: {  	v6 =	vld @!p0 [tilespmem:$0x60];
	v1 =	vadd.s32 @!p0 s10, v1;
	v0 =	vshll.u32 @!p0 v0, $0x3  }
0x19: {  	v7 =	vld @!p0 [tilespmem:$0x70];
	v2 =	vadd.s32 @!p0 s10, v2;
	v1 =	vshll.u32 @!p0 v1, $0x3;
	[tilespmem:$0x50] =	vst @!p0 v0  }
0x1a: {  	v2 =	vshll.u32 @!p0 v2, $0x3;
	v0 =	vadd.s32 @!p0 s10, v3;
	[tilespmem:$0x30] =	vst @!p0 v1  }
0x1b: {  	[tilespmem:$0x20] =	vst @!p0 v2;
	v1 =	vadd.s32 @!p0 s10, v4;
	v0 =	vshll.u32 @!p0 v0, $0x3  }
0x1c: {  	v2 =	vadd.s32 @!p0 s10, v5;
	[tilespmem:$0x10] =	vst @!p0 v0;
	v0 =	vshll.u32 @!p0 v1, $0x3  }
0x1d: {  	s11 =	smov.u32 s6;
	v1 =	vshll.u32 @!p0 v2, $0x3;
	[tilespmem:$0x40] =	vst @!p0 v0;
	v0 =	vadd.s32 @!p0 s10, v6  }
0x1e: {  	s12 =	smov.u32 s7;
	s9 =	simm.s32 $0x20;
	[tilespmem:$0x0] =	vst @!p0 v1;
	v1 =	vadd.s32 @!p0 s10, v7;
	s10 =	smov.u32 s6;
	v0 =	vshll.u32 @!p0 v0, $0x3  }
.LBB2_2:
0x1f: {  	s11 =	sadd.s32 $0x2000, s11  }
0x20: {  	[tilespmem:$0x60] =	vst @!p0 v0;
	v0 =	vshll.u32 @!p0 v1, $0x3;
	s12 =	sadd.s32 $0x200, s12;
	s13 =	smov.u32 s9;
	s9 =	sadd.s32 $0x20, s9  }
0x21: {  	s14 =	simm.s32 @!p0 $0x80;
	s15 =	simm.s32 @!p0 $0x1;
	p1 =	sne.s32 s9, $0x61C0;
	[tilespmem:$0x70] =	vst @!p0 v0  }
0x22: {  	[tilespmem:s14], [sflag:$0x1] =	stream.indirect.gather @!p0 [hbm4b:s3+s14], $0x10, s8, s14, $0xb8;
	[tilespmem:$0x880] =	vst v63  }
0x23: {  	_ =	swait.ge @!p0 [sflag:s15], $0x800  }
0x24: {  	s13 =	sadd.s32 s13, s4;
	[sflag:s15] =	ssyncset.done @!p0 $0x0  }
0x25: {  	p2 =	sgt.u32 s13, $0x61A7;
	[sflag:s15] =	ssyncadd.s32 @!p0 $0xFFFFF800;
	s15 =	simm.s32 @!p0 $0x2  }
0x26: {  	[hbm4b:s10+s8] =	stream.linear.scatter @!p0 [tilespmem:s14], [sflag:$0x2], $0x800, $0x38;
	[tilespmem:$0x880] =	vst v63  }
0x27: {  	s8 =	simm.s32 @!p2 $0x0;
	s14 =	simm.s32 @!p2 $0x3;
	_ =	swait.ge @!p0 [sflag:s15], $0x800  }
0x28: {  	s13 =	smul.u32 @!p2 $0x53E3, s13;
	s10 =	smov.u32 s11;
	[sflag:s15] =	ssyncset.done @!p0 $0x0  }
0x29: {  	[sflag:s15] =	ssyncadd.s32 @!p0 $0xFFFFF800;
	p0 =	por p2, p2  }
0x2a: {  	[tilespmem:s8], [sflag:$0x3] =	stream.linear.gather @!p0 [hbm4b:s12+s8], $0x80, $0x38;
	[tilespmem:$0x880] =	vst v63  }
0x2b: {  	s13 =	sshrl.u32 @!p0 s13, $0x1B;
	_ =	swait.ge @!p0 [sflag:s14], $0x80  }
0x2c: {  	[sflag:s14] =	ssyncset.done @!p0 $0x0  }
0x2d: {  	[sflag:s14] =	ssyncadd.s32 @!p0 $0xFFFFFF80  }
0x2e: {  	v0 =	vld @!p0 [tilespmem:$0x50]  }
0x2f: {  	s13 =	smul.u32 @!p0 $0xC350, s13;
	v1 =	vld @!p0 [tilespmem:$0x30]  }
0x30: {  	v2 =	vld @!p0 [tilespmem:$0x20]  }
0x31: {  	v3 =	vld @!p0 [tilespmem:$0x10]  }
0x32: {  	v4 =	vld @!p0 [tilespmem:$0x40]  }
0x33: {  	v5 =	vld @!p0 [tilespmem:$0x0];
	v0 =	vadd.s32 @!p0 s13, v0  }
0x34: {  	v1 =	vadd.s32 @!p0 s13, v1;
	v0 =	vshll.u32 @!p0 v0, $0x3;
	v6 =	vld @!p0 [tilespmem:$0x60]  }
0x35: {  	v2 =	vadd.s32 @!p0 s13, v2;
	v1 =	vshll.u32 @!p0 v1, $0x3;
	[tilespmem:$0x50] =	vst @!p0 v0;
	v7 =	vld @!p0 [tilespmem:$0x70]  }
.Ltmp0:
0x36: {  	v0 =	vadd.s32 @!p0 s13, v3;
	v2 =	vshll.u32 @!p0 v2, $0x3;
	[tilespmem:$0x30] =	vst @!p0 v1;
	(pc) =	sbr.rel @p1 .LBB2_2-.Ltmp0, $4  }
0x37: {  	v0 =	vshll.u32 @!p0 v0, $0x3;
	[tilespmem:$0x20] =	vst @!p0 v2;
	v1 =	vadd.s32 @!p0 s13, v4  }
0x38: {  	v2 =	vadd.s32 @!p0 s13, v5;
	[tilespmem:$0x10] =	vst @!p0 v0;
	v0 =	vshll.u32 @!p0 v1, $0x3  }
0x39: {  	v1 =	vshll.u32 @!p0 v2, $0x3;
	[tilespmem:$0x40] =	vst @!p0 v0;
	v0 =	vadd.s32 @!p0 s13, v6  }
0x3a: {  	[tilespmem:$0x0] =	vst @!p0 v1;
	v0 =	vshll.u32 @!p0 v0, $0x3;
	v1 =	vadd.s32 @!p0 s13, v7  }
0x3b: {  	[tilespmem:$0x60] =	vst @!p0 v0;
	v0 =	vshll.u32 @!p0 v1, $0x3  }
0x3c: {  	s9 =	simm.s32 @!p0 $0x80;
	s11 =	simm.s32 @!p0 $0x1;
	[tilespmem:$0x70] =	vst @!p0 v0  }
0x3d: {  	[tilespmem:s9], [sflag:$0x1] =	stream.indirect.gather @!p0 [hbm4b:s3+s9], $0x10, s8, s9, $0xb8;
	[tilespmem:$0x880] =	vst v63  }
0x3e: {  	s2 =	sadd.s32 $0x1, s2;
	_ =	swait.ge @!p0 [sflag:s11], $0x800  }
0x3f: {  	p1 =	sne.s32 s2, s5;
	[sflag:s11] =	ssyncset.done @!p0 $0x0  }
.Ltmp1:
0x40: {  	[sflag:s11] =	ssyncadd.s32 @!p0 $0xFFFFF800;
	s11 =	simm.s32 @!p0 $0x2;
	(pc) =	sbr.rel @p1 .LBB2_1-.Ltmp1, $4  }
0x41: {  	[hbm4b:s10+s8] =	stream.linear.scatter @!p0 [tilespmem:s9], [sflag:$0x2], $0x800, $0x38;
	[tilespmem:$0x880] =	vst v63  }
0x42: {  	_ =	swait.ge @!p0 [sflag:s11], $0x800  }
0x43: {  	[sflag:s11] =	ssyncset.done @!p0 $0x0  }
0x44: {  	[sflag:s11] =	ssyncadd.s32 @!p0 $0xFFFFF800  }
0x45: {  	_ =	sfence.sel $0x180000  }
0x46: {  	[bflag:$0x0] =	sbarrier.arrive $0xFFFF  }
0x47: {  	p0 =	sne.s32 s1, $0x0;
	_ =	strace $0x9000004A  }
0x48: {  	s0 =	sadd.s32 @!p0 $0x100000, s0;
	[bflag:$0x2] =	sbarrier.arrive $0xFFFF  }
0x49: {  	[sflag:s0] =	ssyncadd.tile.s32 @!p0 $0x1;
	_ =	shalt  }
.Lfunc_end2:
_tile_overlayer_lowered:
.L_overlay_start_2:
0x4a: {  	(tag) =	ssettag $0x2  }
0x4b: {  	s0 =	rddreg [dreg:$0x0];
	s2 =	stileid.u32  }
0x4c: {  	s1 =	rddreg [dreg:$0x1];
	p0 =	sne.s32 s2, $0x0  }
0x4d: {  	s3 =	rddreg [dreg:$0x2];
	[bflag:$0x3] =	sbarrier.arrive $0xFFFF;
	s2 =	simm.s32 @!p0 $0x1C02  }
0x4e: {  	[timem:s3], [sflag:s2] =	dma.local @!p0 [hbm:s0], s1  }
0x4f: {  	s0 =	simm.s32 @!p0 $0x2  }
0x50: {  	_ =	swait.ge @!p0 [sflag:s0], s1  }
0x51: {  	s1 =	ssub.s32 @!p0 $0x0, s1;
	[sflag:s0] =	ssyncset.done @!p0 $0x0  }
0x52: {  	[sflag:s0] =	ssyncadd.s32 @!p0 s1  }
0x53: {  	[bflag:$0x3] =	sbarrier.arrive $0xFFFF  }
0x54: {  	_ =	shalt  }

</sc_bundles>
